<compile_context>
chip_gen: v7x
topology: tpu7x:2x2x1
jax: 0.10.2.dev20260603
libtpu: 0.0.44.dev20260713+nightly
codegen_flags: <defaults>
</compile_context>

<pallas_src>
import functools

import jax
import jax.numpy as jnp
from jax import lax
from jax.experimental import pallas as pl
from jax.experimental.pallas import tpu as pltpu
from jax.experimental.pallas import tpu_sc as plsc

D1 = 200
D2 = 128
B = 1048576
NC = 2
NS = 16
NW = NC * NS
BPW = B // NW
VEC = 16

SCHED = (2048, 10240, 10240, 10240)
NCH = len(SCHED)
OFF = tuple(sum(SCHED[:c]) for c in range(NCH))
STAGE = max(SCHED)


def _flat_gather(x_flat, i0, i1, i2):
    mesh = plsc.VectorSubcoreMesh(core_axis_name="c", subcore_axis_name="s")

    @functools.partial(
        pl.kernel,
        out_type=jax.ShapeDtypeStruct((B,), jnp.float32),
        mesh=mesh,
        scratch_types=[
            pltpu.VMEM((STAGE,), jnp.int32),
            pltpu.VMEM((STAGE,), jnp.int32),
            pltpu.VMEM((STAGE,), jnp.int32),
            pltpu.VMEM((STAGE,), jnp.int32),
            pltpu.VMEM((BPW,), jnp.int32),
            pltpu.VMEM((BPW,), jnp.float32),
            pltpu.SemaphoreType.DMA,
            pltpu.SemaphoreType.DMA,
            [pltpu.SemaphoreType.DMA] * NCH,
            pltpu.SemaphoreType.DMA,
        ],
    )
    def k(x_hbm, i0_hbm, i1_hbm, i2_hbm, out_hbm,
          i0a, i1a, i0b, i1b, flat_v, vals_v, sem_a, sem_b, gsems, sem_w):
        wid = lax.axis_index("s") * NC + lax.axis_index("c")
        base = wid * BPW
        slot_bufs = ((i0a, i1a), (i0b, i1b))
        slot_sems = (sem_a, sem_b)

        def fire_loads(c):
            off = base + OFF[c]
            n = SCHED[c]
            b0, b1 = slot_bufs[c % 2]
            sem = slot_sems[c % 2]
            return [
                pltpu.async_copy(i0_hbm.at[pl.ds(off, n)], b0.at[pl.ds(0, n)], sem),
                pltpu.async_copy(i1_hbm.at[pl.ds(off, n)], b1.at[pl.ds(0, n)], sem),
                pltpu.async_copy(i2_hbm.at[pl.ds(off, n)],
                                 flat_v.at[pl.ds(OFF[c], n)], sem),
            ]

        pending = {0: fire_loads(0), 1: fire_loads(1)}
        gathers = []
        for c in range(NCH):
            for d in pending.pop(c):
                d.wait()
            b0, b1 = slot_bufs[c % 2]
            fo = OFF[c]

            @plsc.parallel_loop(0, SCHED[c], VEC, unroll=8)
            def _(i):
                s = pl.ds(i, VEC)
                f = pl.ds(fo + i, VEC)
                flat_v[f] = b0[s] * (D1 * D2) + b1[s] * D2 + flat_v[f]

            gathers.append(
                pltpu.async_copy(
                    x_hbm.at[flat_v.at[pl.ds(fo, SCHED[c])]],
                    vals_v.at[pl.ds(fo, SCHED[c])],
                    gsems[c],
                )
            )
            if c + 2 < NCH:
                pending[c + 2] = fire_loads(c + 2)

        writebacks = []
        for c in range(NCH):
            gathers[c].wait()
            writebacks.append(
                pltpu.async_copy(
                    vals_v.at[pl.ds(OFF[c], SCHED[c])],
                    out_hbm.at[pl.ds(base + OFF[c], SCHED[c])],
                    sem_w,
                )
            )
        for d in writebacks:
            d.wait()

    return k(x_flat, i0, i1, i2)


@jax.jit
def kernel(x, idx0, idx1, idx2):
    x_flat = x.reshape(-1)
    return _flat_gather(
        x_flat,
        idx0.astype(jnp.int32),
        idx1.astype(jnp.int32),
        idx2.astype(jnp.int32),
    )

# --- scband reference (transcript-rebuilt; emitter-appended) ---
"""Pipeline reference for scband-multi-index3-d-65103114273473 (READ-ONLY COPY).

The authoritative reference and input builder live on the scoring server;
editing this copy changes nothing except your own understanding.
"""

import jax, jax.numpy as jnp
import numpy as np


def setup_inputs(seed: int = 0) -> dict:
    key = jax.random.key(seed)
    k1, k2, k3, k4 = jax.random.split(key, 4)
    x = jax.random.normal(k1, (4096, 200, 128), dtype=jnp.float32)
    idx0 = jax.random.randint(k2, (1048576,), 0, 4096)
    idx1 = jax.random.randint(k3, (1048576,), 0, 200)
    idx2 = jax.random.randint(k4, (1048576,), 0, 128)
    return {"x": x, "idx0": idx0, "idx1": idx1, "idx2": idx2}


def reference(x, idx0, idx1, idx2):
    # Faithful translation of torch advanced indexing x[idx0, idx1, idx2]:
    # element-wise triple-index gather producing a 1-D result.
    return x[idx0, idx1, idx2]

if __name__ == "__main__":
    import jax
    _d = setup_inputs()
    print(jax.jit(kernel)(*tuple(_d.values())))

</pallas_src>

<mosaic_0001>
#map = affine_map<(d0, d1) -> (0)>
module attributes {stable_mosaic.version = 14 : i64} {
  func.func @k(%arg0: i32, %arg1: i32, %arg2: memref<104857600xf32, #tpu.memory_space<hbm>>, %arg3: memref<1048576xi32, #tpu.memory_space<hbm>>, %arg4: memref<1048576xi32, #tpu.memory_space<hbm>>, %arg5: memref<1048576xi32, #tpu.memory_space<hbm>>, %arg6: memref<1048576xf32, #tpu.memory_space<hbm>>, %arg7: memref<10240xi32, #tpu.memory_space<vmem>>, %arg8: memref<10240xi32, #tpu.memory_space<vmem>>, %arg9: memref<10240xi32, #tpu.memory_space<vmem>>, %arg10: memref<10240xi32, #tpu.memory_space<vmem>>, %arg11: memref<32768xi32, #tpu.memory_space<vmem>>, %arg12: memref<32768xf32, #tpu.memory_space<vmem>>, %arg13: memref<!tpu.dma_semaphore, #tpu.memory_space<semaphore_mem>>, %arg14: memref<!tpu.dma_semaphore, #tpu.memory_space<semaphore_mem>>, %arg15: memref<!tpu.dma_semaphore, #tpu.memory_space<semaphore_mem>>, %arg16: memref<!tpu.dma_semaphore, #tpu.memory_space<semaphore_mem>>, %arg17: memref<!tpu.dma_semaphore, #tpu.memory_space<semaphore_mem>>, %arg18: memref<!tpu.dma_semaphore, #tpu.memory_space<semaphore_mem>>, %arg19: memref<!tpu.dma_semaphore, #tpu.memory_space<semaphore_mem>>) attributes {dimension_semantics = [#tpu.dimension_semantics<core_parallel>, #tpu.dimension_semantics<subcore_parallel>], iteration_bounds = array<i64: 2, 16>, scalar_prefetch = 0 : i64, scratch_operands = 13 : i64, tpu.core_type = #tpu.core_type<sc_vector_subcore>, window_params = [{transform_indices = #map}, {transform_indices = #map}, {transform_indices = #map}, {transform_indices = #map}, {transform_indices = #map}]} {
    %mul3A = arith.constant 2 : i32
    %mul3A_0 = arith.muli %arg1, %mul3A : i32
    %add3A = arith.addi %mul3A_0, %arg0 : i32
    %mul3A_1 = arith.constant 32768 : i32
    %mul3A_2 = arith.muli %add3A, %mul3A_1 : i32
    %add3A_3 = arith.constant 0 : i32
    %add3A_4 = arith.addi %mul3A_2, %add3A_3 : i32
    %dma_start3A = arith.constant 0 : i32
    %dma_start3A_5 = tpu.memref_slice %arg7[%dma_start3A] : memref<10240xi32, #tpu.memory_space<vmem>> -> memref<2048xi32, #tpu.memory_space<vmem>>
    %dma_start3A_6 = tpu.memref_slice %arg3[%add3A_4] : memref<1048576xi32, #tpu.memory_space<hbm>> -> memref<2048xi32, #tpu.memory_space<hbm>>
    %dma_start3A_7 = arith.constant 0 : i32
    %dma_start3A_8 = tpu.memref_slice %arg7[%dma_start3A_7] : memref<10240xi32, #tpu.memory_space<vmem>> -> memref<2048xi32, #tpu.memory_space<vmem>>
    %dma_start3A_9 = tpu.memref_slice %arg3[%add3A_4] : memref<1048576xi32, #tpu.memory_space<hbm>> -> memref<2048xi32, #tpu.memory_space<hbm>>
    tpu.enqueue_dma source(%dma_start3A_9 : memref<2048xi32, #tpu.memory_space<hbm>>) target(%dma_start3A_8 : memref<2048xi32, #tpu.memory_space<vmem>>) target_semaphore(%arg13 : memref<!tpu.dma_semaphore, #tpu.memory_space<semaphore_mem>>)
    %dma_start3A_10 = arith.constant 0 : i32
    %dma_start3A_11 = tpu.memref_slice %arg8[%dma_start3A_10] : memref<10240xi32, #tpu.memory_space<vmem>> -> memref<2048xi32, #tpu.memory_space<vmem>>
    %dma_start3A_12 = tpu.memref_slice %arg4[%add3A_4] : memref<1048576xi32, #tpu.memory_space<hbm>> -> memref<2048xi32, #tpu.memory_space<hbm>>
    %dma_start3A_13 = arith.constant 0 : i32
    %dma_start3A_14 = tpu.memref_slice %arg8[%dma_start3A_13] : memref<10240xi32, #tpu.memory_space<vmem>> -> memref<2048xi32, #tpu.memory_space<vmem>>
    %dma_start3A_15 = tpu.memref_slice %arg4[%add3A_4] : memref<1048576xi32, #tpu.memory_space<hbm>> -> memref<2048xi32, #tpu.memory_space<hbm>>
    tpu.enqueue_dma source(%dma_start3A_15 : memref<2048xi32, #tpu.memory_space<hbm>>) target(%dma_start3A_14 : memref<2048xi32, #tpu.memory_space<vmem>>) target_semaphore(%arg13 : memref<!tpu.dma_semaphore, #tpu.memory_space<semaphore_mem>>)
    %dma_start3A_16 = arith.constant 0 : i32
    %dma_start3A_17 = tpu.memref_slice %arg11[%dma_start3A_16] : memref<32768xi32, #tpu.memory_space<vmem>> -> memref<2048xi32, #tpu.memory_space<vmem>>
    %dma_start3A_18 = tpu.memref_slice %arg5[%add3A_4] : memref<1048576xi32, #tpu.memory_space<hbm>> -> memref<2048xi32, #tpu.memory_space<hbm>>
    %dma_start3A_19 = arith.constant 0 : i32
    %dma_start3A_20 = tpu.memref_slice %arg11[%dma_start3A_19] : memref<32768xi32, #tpu.memory_space<vmem>> -> memref<2048xi32, #tpu.memory_space<vmem>>
    %dma_start3A_21 = tpu.memref_slice %arg5[%add3A_4] : memref<1048576xi32, #tpu.memory_space<hbm>> -> memref<2048xi32, #tpu.memory_space<hbm>>
    tpu.enqueue_dma source(%dma_start3A_21 : memref<2048xi32, #tpu.memory_space<hbm>>) target(%dma_start3A_20 : memref<2048xi32, #tpu.memory_space<vmem>>) target_semaphore(%arg13 : memref<!tpu.dma_semaphore, #tpu.memory_space<semaphore_mem>>)
    %add3A_22 = arith.constant 2048 : i32
    %add3A_23 = arith.addi %mul3A_2, %add3A_22 : i32
    %dma_start3A_24 = arith.constant 0 : i32
    %dma_start3A_25 = tpu.memref_slice %arg9[%dma_start3A_24] : memref<10240xi32, #tpu.memory_space<vmem>> -> memref<10240xi32, #tpu.memory_space<vmem>>
    %dma_start3A_26 = tpu.memref_slice %arg3[%add3A_23] : memref<1048576xi32, #tpu.memory_space<hbm>> -> memref<10240xi32, #tpu.memory_space<hbm>>
    %dma_start3A_27 = arith.constant 0 : i32
    %dma_start3A_28 = tpu.memref_slice %arg9[%dma_start3A_27] : memref<10240xi32, #tpu.memory_space<vmem>> -> memref<10240xi32, #tpu.memory_space<vmem>>
    %dma_start3A_29 = tpu.memref_slice %arg3[%add3A_23] : memref<1048576xi32, #tpu.memory_space<hbm>> -> memref<10240xi32, #tpu.memory_space<hbm>>
    tpu.enqueue_dma source(%dma_start3A_29 : memref<10240xi32, #tpu.memory_space<hbm>>) target(%dma_start3A_28 : memref<10240xi32, #tpu.memory_space<vmem>>) target_semaphore(%arg14 : memref<!tpu.dma_semaphore, #tpu.memory_space<semaphore_mem>>)
    %dma_start3A_30 = arith.constant 0 : i32
    %dma_start3A_31 = tpu.memref_slice %arg10[%dma_start3A_30] : memref<10240xi32, #tpu.memory_space<vmem>> -> memref<10240xi32, #tpu.memory_space<vmem>>
    %dma_start3A_32 = tpu.memref_slice %arg4[%add3A_23] : memref<1048576xi32, #tpu.memory_space<hbm>> -> memref<10240xi32, #tpu.memory_space<hbm>>
    %dma_start3A_33 = arith.constant 0 : i32
    %dma_start3A_34 = tpu.memref_slice %arg10[%dma_start3A_33] : memref<10240xi32, #tpu.memory_space<vmem>> -> memref<10240xi32, #tpu.memory_space<vmem>>
    %dma_start3A_35 = tpu.memref_slice %arg4[%add3A_23] : memref<1048576xi32, #tpu.memory_space<hbm>> -> memref<10240xi32, #tpu.memory_space<hbm>>
    tpu.enqueue_dma source(%dma_start3A_35 : memref<10240xi32, #tpu.memory_space<hbm>>) target(%dma_start3A_34 : memref<10240xi32, #tpu.memory_space<vmem>>) target_semaphore(%arg14 : memref<!tpu.dma_semaphore, #tpu.memory_space<semaphore_mem>>)
    %dma_start3A_36 = arith.constant 2048 : i32
    %dma_start3A_37 = tpu.memref_slice %arg11[%dma_start3A_36] : memref<32768xi32, #tpu.memory_space<vmem>> -> memref<10240xi32, #tpu.memory_space<vmem>>
    %dma_start3A_38 = tpu.memref_slice %arg5[%add3A_23] : memref<1048576xi32, #tpu.memory_space<hbm>> -> memref<10240xi32, #tpu.memory_space<hbm>>
    %dma_start3A_39 = arith.constant 2048 : i32
    %dma_start3A_40 = tpu.memref_slice %arg11[%dma_start3A_39] : memref<32768xi32, #tpu.memory_space<vmem>> -> memref<10240xi32, #tpu.memory_space<vmem>>
    %dma_start3A_41 = tpu.memref_slice %arg5[%add3A_23] : memref<1048576xi32, #tpu.memory_space<hbm>> -> memref<10240xi32, #tpu.memory_space<hbm>>
    tpu.enqueue_dma source(%dma_start3A_41 : memref<10240xi32, #tpu.memory_space<hbm>>) target(%dma_start3A_40 : memref<10240xi32, #tpu.memory_space<vmem>>) target_semaphore(%arg14 : memref<!tpu.dma_semaphore, #tpu.memory_space<semaphore_mem>>)
    %dma_wait3A = arith.constant 0 : i32
    %dma_wait3A_42 = tpu.memref_slice %arg7[%dma_wait3A] : memref<10240xi32, #tpu.memory_space<vmem>> -> memref<2048xi32, #tpu.memory_space<vmem>>
    %dma_wait3A_43 = tpu.memref_slice %arg3[%add3A_4] : memref<1048576xi32, #tpu.memory_space<hbm>> -> memref<2048xi32, #tpu.memory_space<hbm>>
    %dma_wait3A_44 = arith.constant 0 : i32
    %dma_wait3A_45 = tpu.memref_slice %arg7[%dma_wait3A_44] : memref<10240xi32, #tpu.memory_space<vmem>> -> memref<2048xi32, #tpu.memory_space<vmem>>
    %dma_wait3A_46 = tpu.memref_slice %arg3[%add3A_4] : memref<1048576xi32, #tpu.memory_space<hbm>> -> memref<2048xi32, #tpu.memory_space<hbm>>
    tpu.wait_dma2 semaphore(%arg13 : memref<!tpu.dma_semaphore, #tpu.memory_space<semaphore_mem>>) src(%dma_wait3A_46 : memref<2048xi32, #tpu.memory_space<hbm>>) dst(%dma_wait3A_45 : memref<2048xi32, #tpu.memory_space<vmem>>)
    %dma_wait3A_47 = arith.constant 0 : i32
    %dma_wait3A_48 = tpu.memref_slice %arg8[%dma_wait3A_47] : memref<10240xi32, #tpu.memory_space<vmem>> -> memref<2048xi32, #tpu.memory_space<vmem>>
    %dma_wait3A_49 = tpu.memref_slice %arg4[%add3A_4] : memref<1048576xi32, #tpu.memory_space<hbm>> -> memref<2048xi32, #tpu.memory_space<hbm>>
    %dma_wait3A_50 = arith.constant 0 : i32
    %dma_wait3A_51 = tpu.memref_slice %arg8[%dma_wait3A_50] : memref<10240xi32, #tpu.memory_space<vmem>> -> memref<2048xi32, #tpu.memory_space<vmem>>
    %dma_wait3A_52 = tpu.memref_slice %arg4[%add3A_4] : memref<1048576xi32, #tpu.memory_space<hbm>> -> memref<2048xi32, #tpu.memory_space<hbm>>
    tpu.wait_dma2 semaphore(%arg13 : memref<!tpu.dma_semaphore, #tpu.memory_space<semaphore_mem>>) src(%dma_wait3A_52 : memref<2048xi32, #tpu.memory_space<hbm>>) dst(%dma_wait3A_51 : memref<2048xi32, #tpu.memory_space<vmem>>)
    %dma_wait3A_53 = arith.constant 0 : i32
    %dma_wait3A_54 = tpu.memref_slice %arg11[%dma_wait3A_53] : memref<32768xi32, #tpu.memory_space<vmem>> -> memref<2048xi32, #tpu.memory_space<vmem>>
    %dma_wait3A_55 = tpu.memref_slice %arg5[%add3A_4] : memref<1048576xi32, #tpu.memory_space<hbm>> -> memref<2048xi32, #tpu.memory_space<hbm>>
    %dma_wait3A_56 = arith.constant 0 : i32
    %dma_wait3A_57 = tpu.memref_slice %arg11[%dma_wait3A_56] : memref<32768xi32, #tpu.memory_space<vmem>> -> memref<2048xi32, #tpu.memory_space<vmem>>
    %dma_wait3A_58 = tpu.memref_slice %arg5[%add3A_4] : memref<1048576xi32, #tpu.memory_space<hbm>> -> memref<2048xi32, #tpu.memory_space<hbm>>
    tpu.wait_dma2 semaphore(%arg13 : memref<!tpu.dma_semaphore, #tpu.memory_space<semaphore_mem>>) src(%dma_wait3A_58 : memref<2048xi32, #tpu.memory_space<hbm>>) dst(%dma_wait3A_57 : memref<2048xi32, #tpu.memory_space<vmem>>)
    %parallel_loop3A = arith.constant 0 : i32
    %parallel_loop3A_59 = arith.constant 2048 : i32
    %parallel_loop3A_60 = arith.constant 16 : i32
    scf.for %parallel_loop3A_268 = %parallel_loop3A to %parallel_loop3A_59 step %parallel_loop3A_60  : i32 {
      %parallel_loop3A_269 = arith.constant 0 : i32
      %parallel_loop3A_270 = arith.addi %parallel_loop3A_269, %parallel_loop3A_268 : i32
      %parallel_loop3A_271 = arith.index_cast %parallel_loop3A_268 : i32 to index
      %parallel_loop3A_272 = tpu.vector_load %arg7[%parallel_loop3A_271] {strides = array<i32>} : memref<10240xi32, #tpu.memory_space<vmem>>, vector<16xi32>,
      %parallel_loop3A_273 = vector.shape_cast %parallel_loop3A_272 : vector<16xi32> to vector<16xi32>
      %parallel_loop3A_274 = arith.constant 25600 : i32
      %parallel_loop3A_275 = vector.broadcast %parallel_loop3A_274 : i32 to vector<16xi32>
      %parallel_loop3A_276 = arith.muli %parallel_loop3A_273, %parallel_loop3A_275 : vector<16xi32>
      %parallel_loop3A_277 = arith.index_cast %parallel_loop3A_268 : i32 to index
      %parallel_loop3A_278 = tpu.vector_load %arg8[%parallel_loop3A_277] {strides = array<i32>} : memref<10240xi32, #tpu.memory_space<vmem>>, vector<16xi32>,
      %parallel_loop3A_279 = vector.shape_cast %parallel_loop3A_278 : vector<16xi32> to vector<16xi32>
      %parallel_loop3A_280 = arith.constant 128 : i32
      %parallel_loop3A_281 = vector.broadcast %parallel_loop3A_280 : i32 to vector<16xi32>
      %parallel_loop3A_282 = arith.muli %parallel_loop3A_279, %parallel_loop3A_281 : vector<16xi32>
      %parallel_loop3A_283 = arith.addi %parallel_loop3A_276, %parallel_loop3A_282 : vector<16xi32>
      %parallel_loop3A_284 = arith.index_cast %parallel_loop3A_270 : i32 to index
      %parallel_loop3A_285 = tpu.vector_load %arg11[%parallel_loop3A_284] {strides = array<i32>} : memref<32768xi32, #tpu.memory_space<vmem>>, vector<16xi32>,
      %parallel_loop3A_286 = vector.shape_cast %parallel_loop3A_285 : vector<16xi32> to vector<16xi32>
      %parallel_loop3A_287 = arith.addi %parallel_loop3A_283, %parallel_loop3A_286 : vector<16xi32>
      %parallel_loop3A_288 = arith.index_cast %parallel_loop3A_270 : i32 to index
      %parallel_loop3A_289 = tpu.vector_load %arg11[%parallel_loop3A_288] {strides = array<i32>} : memref<32768xi32, #tpu.memory_space<vmem>>, vector<16xi32>,
      %parallel_loop3A_290 = vector.shape_cast %parallel_loop3A_289 : vector<16xi32> to vector<16xi32>
      %parallel_loop3A_291 = vector.shape_cast %parallel_loop3A_287 : vector<16xi32> to vector<16xi32>
      tpu.vector_store %arg11[%parallel_loop3A_288], %parallel_loop3A_291 {strides = array<i32>} : memref<32768xi32, #tpu.memory_space<vmem>>, vector<16xi32>,
    } {sc.loop_unroll_factor = 8 : i64, sc.parallel_access}
    %dma_start3A_61 = arith.constant 0 : i32
    %dma_start3A_62 = tpu.memref_slice %arg12[%dma_start3A_61] : memref<32768xf32, #tpu.memory_space<vmem>> -> memref<2048xf32, #tpu.memory_space<vmem>>
    %dma_start3A_63 = arith.constant 0 : i32
    %dma_start3A_64 = tpu.memref_slice %arg11[%dma_start3A_63] : memref<32768xi32, #tpu.memory_space<vmem>> -> memref<2048xi32, #tpu.memory_space<vmem>>
    %dma_start3A_65 = arith.constant 0 : i32
    %dma_start3A_66 = tpu.memref_slice %arg2[%dma_start3A_65] : memref<104857600xf32, #tpu.memory_space<hbm>> -> memref<104857600xf32, #tpu.memory_space<hbm>>
    tpu.enqueue_indirect_dma source(%dma_start3A_66 : memref<104857600xf32, #tpu.memory_space<hbm>>) target(%dma_start3A_62 : memref<2048xf32, #tpu.memory_space<vmem>>) offsets(%dma_start3A_64 : memref<2048xi32, #tpu.memory_space<vmem>>) semaphore(%arg15 : memref<!tpu.dma_semaphore, #tpu.memory_space<semaphore_mem>>)
    %add3A_67 = arith.constant 12288 : i32
    %add3A_68 = arith.addi %mul3A_2, %add3A_67 : i32
    %dma_start3A_69 = arith.constant 0 : i32
    %dma_start3A_70 = tpu.memref_slice %arg7[%dma_start3A_69] : memref<10240xi32, #tpu.memory_space<vmem>> -> memref<10240xi32, #tpu.memory_space<vmem>>
    %dma_start3A_71 = tpu.memref_slice %arg3[%add3A_68] : memref<1048576xi32, #tpu.memory_space<hbm>> -> memref<10240xi32, #tpu.memory_space<hbm>>
    %dma_start3A_72 = arith.constant 0 : i32
    %dma_start3A_73 = tpu.memref_slice %arg7[%dma_start3A_72] : memref<10240xi32, #tpu.memory_space<vmem>> -> memref<10240xi32, #tpu.memory_space<vmem>>
    %dma_start3A_74 = tpu.memref_slice %arg3[%add3A_68] : memref<1048576xi32, #tpu.memory_space<hbm>> -> memref<10240xi32, #tpu.memory_space<hbm>>
    tpu.enqueue_dma source(%dma_start3A_74 : memref<10240xi32, #tpu.memory_space<hbm>>) target(%dma_start3A_73 : memref<10240xi32, #tpu.memory_space<vmem>>) target_semaphore(%arg13 : memref<!tpu.dma_semaphore, #tpu.memory_space<semaphore_mem>>)
    %dma_start3A_75 = arith.constant 0 : i32
    %dma_start3A_76 = tpu.memref_slice %arg8[%dma_start3A_75] : memref<10240xi32, #tpu.memory_space<vmem>> -> memref<10240xi32, #tpu.memory_space<vmem>>
    %dma_start3A_77 = tpu.memref_slice %arg4[%add3A_68] : memref<1048576xi32, #tpu.memory_space<hbm>> -> memref<10240xi32, #tpu.memory_space<hbm>>
    %dma_start3A_78 = arith.constant 0 : i32
    %dma_start3A_79 = tpu.memref_slice %arg8[%dma_start3A_78] : memref<10240xi32, #tpu.memory_space<vmem>> -> memref<10240xi32, #tpu.memory_space<vmem>>
    %dma_start3A_80 = tpu.memref_slice %arg4[%add3A_68] : memref<1048576xi32, #tpu.memory_space<hbm>> -> memref<10240xi32, #tpu.memory_space<hbm>>
    tpu.enqueue_dma source(%dma_start3A_80 : memref<10240xi32, #tpu.memory_space<hbm>>) target(%dma_start3A_79 : memref<10240xi32, #tpu.memory_space<vmem>>) target_semaphore(%arg13 : memref<!tpu.dma_semaphore, #tpu.memory_space<semaphore_mem>>)
    %dma_start3A_81 = arith.constant 12288 : i32
    %dma_start3A_82 = tpu.memref_slice %arg11[%dma_start3A_81] : memref<32768xi32, #tpu.memory_space<vmem>> -> memref<10240xi32, #tpu.memory_space<vmem>>
    %dma_start3A_83 = tpu.memref_slice %arg5[%add3A_68] : memref<1048576xi32, #tpu.memory_space<hbm>> -> memref<10240xi32, #tpu.memory_space<hbm>>
    %dma_start3A_84 = arith.constant 12288 : i32
    %dma_start3A_85 = tpu.memref_slice %arg11[%dma_start3A_84] : memref<32768xi32, #tpu.memory_space<vmem>> -> memref<10240xi32, #tpu.memory_space<vmem>>
    %dma_start3A_86 = tpu.memref_slice %arg5[%add3A_68] : memref<1048576xi32, #tpu.memory_space<hbm>> -> memref<10240xi32, #tpu.memory_space<hbm>>
    tpu.enqueue_dma source(%dma_start3A_86 : memref<10240xi32, #tpu.memory_space<hbm>>) target(%dma_start3A_85 : memref<10240xi32, #tpu.memory_space<vmem>>) target_semaphore(%arg13 : memref<!tpu.dma_semaphore, #tpu.memory_space<semaphore_mem>>)
    %dma_wait3A_87 = arith.constant 0 : i32
    %dma_wait3A_88 = tpu.memref_slice %arg9[%dma_wait3A_87] : memref<10240xi32, #tpu.memory_space<vmem>> -> memref<10240xi32, #tpu.memory_space<vmem>>
    %dma_wait3A_89 = tpu.memref_slice %arg3[%add3A_23] : memref<1048576xi32, #tpu.memory_space<hbm>> -> memref<10240xi32, #tpu.memory_space<hbm>>
    %dma_wait3A_90 = arith.constant 0 : i32
    %dma_wait3A_91 = tpu.memref_slice %arg9[%dma_wait3A_90] : memref<10240xi32, #tpu.memory_space<vmem>> -> memref<10240xi32, #tpu.memory_space<vmem>>
    %dma_wait3A_92 = tpu.memref_slice %arg3[%add3A_23] : memref<1048576xi32, #tpu.memory_space<hbm>> -> memref<10240xi32, #tpu.memory_space<hbm>>
    tpu.wait_dma2 semaphore(%arg14 : memref<!tpu.dma_semaphore, #tpu.memory_space<semaphore_mem>>) src(%dma_wait3A_92 : memref<10240xi32, #tpu.memory_space<hbm>>) dst(%dma_wait3A_91 : memref<10240xi32, #tpu.memory_space<vmem>>)
    %dma_wait3A_93 = arith.constant 0 : i32
    %dma_wait3A_94 = tpu.memref_slice %arg10[%dma_wait3A_93] : memref<10240xi32, #tpu.memory_space<vmem>> -> memref<10240xi32, #tpu.memory_space<vmem>>
    %dma_wait3A_95 = tpu.memref_slice %arg4[%add3A_23] : memref<1048576xi32, #tpu.memory_space<hbm>> -> memref<10240xi32, #tpu.memory_space<hbm>>
    %dma_wait3A_96 = arith.constant 0 : i32
    %dma_wait3A_97 = tpu.memref_slice %arg10[%dma_wait3A_96] : memref<10240xi32, #tpu.memory_space<vmem>> -> memref<10240xi32, #tpu.memory_space<vmem>>
    %dma_wait3A_98 = tpu.memref_slice %arg4[%add3A_23] : memref<1048576xi32, #tpu.memory_space<hbm>> -> memref<10240xi32, #tpu.memory_space<hbm>>
    tpu.wait_dma2 semaphore(%arg14 : memref<!tpu.dma_semaphore, #tpu.memory_space<semaphore_mem>>) src(%dma_wait3A_98 : memref<10240xi32, #tpu.memory_space<hbm>>) dst(%dma_wait3A_97 : memref<10240xi32, #tpu.memory_space<vmem>>)
    %dma_wait3A_99 = arith.constant 2048 : i32
    %dma_wait3A_100 = tpu.memref_slice %arg11[%dma_wait3A_99] : memref<32768xi32, #tpu.memory_space<vmem>> -> memref<10240xi32, #tpu.memory_space<vmem>>
    %dma_wait3A_101 = tpu.memref_slice %arg5[%add3A_23] : memref<1048576xi32, #tpu.memory_space<hbm>> -> memref<10240xi32, #tpu.memory_space<hbm>>
    %dma_wait3A_102 = arith.constant 2048 : i32
    %dma_wait3A_103 = tpu.memref_slice %arg11[%dma_wait3A_102] : memref<32768xi32, #tpu.memory_space<vmem>> -> memref<10240xi32, #tpu.memory_space<vmem>>
    %dma_wait3A_104 = tpu.memref_slice %arg5[%add3A_23] : memref<1048576xi32, #tpu.memory_space<hbm>> -> memref<10240xi32, #tpu.memory_space<hbm>>
    tpu.wait_dma2 semaphore(%arg14 : memref<!tpu.dma_semaphore, #tpu.memory_space<semaphore_mem>>) src(%dma_wait3A_104 : memref<10240xi32, #tpu.memory_space<hbm>>) dst(%dma_wait3A_103 : memref<10240xi32, #tpu.memory_space<vmem>>)
    %parallel_loop3A_105 = arith.constant 0 : i32
    %parallel_loop3A_106 = arith.constant 10240 : i32
    %parallel_loop3A_107 = arith.constant 16 : i32
    scf.for %parallel_loop3A_268 = %parallel_loop3A_105 to %parallel_loop3A_106 step %parallel_loop3A_107  : i32 {
      %parallel_loop3A_269 = arith.constant 2048 : i32
      %parallel_loop3A_270 = arith.addi %parallel_loop3A_269, %parallel_loop3A_268 : i32
      %parallel_loop3A_271 = arith.index_cast %parallel_loop3A_268 : i32 to index
      %parallel_loop3A_272 = tpu.vector_load %arg9[%parallel_loop3A_271] {strides = array<i32>} : memref<10240xi32, #tpu.memory_space<vmem>>, vector<16xi32>,
      %parallel_loop3A_273 = vector.shape_cast %parallel_loop3A_272 : vector<16xi32> to vector<16xi32>
      %parallel_loop3A_274 = arith.constant 25600 : i32
      %parallel_loop3A_275 = vector.broadcast %parallel_loop3A_274 : i32 to vector<16xi32>
      %parallel_loop3A_276 = arith.muli %parallel_loop3A_273, %parallel_loop3A_275 : vector<16xi32>
      %parallel_loop3A_277 = arith.index_cast %parallel_loop3A_268 : i32 to index
      %parallel_loop3A_278 = tpu.vector_load %arg10[%parallel_loop3A_277] {strides = array<i32>} : memref<10240xi32, #tpu.memory_space<vmem>>, vector<16xi32>,
      %parallel_loop3A_279 = vector.shape_cast %parallel_loop3A_278 : vector<16xi32> to vector<16xi32>
      %parallel_loop3A_280 = arith.constant 128 : i32
      %parallel_loop3A_281 = vector.broadcast %parallel_loop3A_280 : i32 to vector<16xi32>
      %parallel_loop3A_282 = arith.muli %parallel_loop3A_279, %parallel_loop3A_281 : vector<16xi32>
      %parallel_loop3A_283 = arith.addi %parallel_loop3A_276, %parallel_loop3A_282 : vector<16xi32>
      %parallel_loop3A_284 = arith.index_cast %parallel_loop3A_270 : i32 to index
      %parallel_loop3A_285 = tpu.vector_load %arg11[%parallel_loop3A_284] {strides = array<i32>} : memref<32768xi32, #tpu.memory_space<vmem>>, vector<16xi32>,
      %parallel_loop3A_286 = vector.shape_cast %parallel_loop3A_285 : vector<16xi32> to vector<16xi32>
      %parallel_loop3A_287 = arith.addi %parallel_loop3A_283, %parallel_loop3A_286 : vector<16xi32>
      %parallel_loop3A_288 = arith.index_cast %parallel_loop3A_270 : i32 to index
      %parallel_loop3A_289 = tpu.vector_load %arg11[%parallel_loop3A_288] {strides = array<i32>} : memref<32768xi32, #tpu.memory_space<vmem>>, vector<16xi32>,
      %parallel_loop3A_290 = vector.shape_cast %parallel_loop3A_289 : vector<16xi32> to vector<16xi32>
      %parallel_loop3A_291 = vector.shape_cast %parallel_loop3A_287 : vector<16xi32> to vector<16xi32>
      tpu.vector_store %arg11[%parallel_loop3A_288], %parallel_loop3A_291 {strides = array<i32>} : memref<32768xi32, #tpu.memory_space<vmem>>, vector<16xi32>,
    } {sc.loop_unroll_factor = 8 : i64, sc.parallel_access}
    %dma_start3A_108 = arith.constant 2048 : i32
    %dma_start3A_109 = tpu.memref_slice %arg12[%dma_start3A_108] : memref<32768xf32, #tpu.memory_space<vmem>> -> memref<10240xf32, #tpu.memory_space<vmem>>
    %dma_start3A_110 = arith.constant 2048 : i32
    %dma_start3A_111 = tpu.memref_slice %arg11[%dma_start3A_110] : memref<32768xi32, #tpu.memory_space<vmem>> -> memref<10240xi32, #tpu.memory_space<vmem>>
    %dma_start3A_112 = arith.constant 0 : i32
    %dma_start3A_113 = tpu.memref_slice %arg2[%dma_start3A_112] : memref<104857600xf32, #tpu.memory_space<hbm>> -> memref<104857600xf32, #tpu.memory_space<hbm>>
    tpu.enqueue_indirect_dma source(%dma_start3A_113 : memref<104857600xf32, #tpu.memory_space<hbm>>) target(%dma_start3A_109 : memref<10240xf32, #tpu.memory_space<vmem>>) offsets(%dma_start3A_111 : memref<10240xi32, #tpu.memory_space<vmem>>) semaphore(%arg16 : memref<!tpu.dma_semaphore, #tpu.memory_space<semaphore_mem>>)
    %add3A_114 = arith.constant 22528 : i32
    %add3A_115 = arith.addi %mul3A_2, %add3A_114 : i32
    %dma_start3A_116 = arith.constant 0 : i32
    %dma_start3A_117 = tpu.memref_slice %arg9[%dma_start3A_116] : memref<10240xi32, #tpu.memory_space<vmem>> -> memref<10240xi32, #tpu.memory_space<vmem>>
    %dma_start3A_118 = tpu.memref_slice %arg3[%add3A_115] : memref<1048576xi32, #tpu.memory_space<hbm>> -> memref<10240xi32, #tpu.memory_space<hbm>>
    %dma_start3A_119 = arith.constant 0 : i32
    %dma_start3A_120 = tpu.memref_slice %arg9[%dma_start3A_119] : memref<10240xi32, #tpu.memory_space<vmem>> -> memref<10240xi32, #tpu.memory_space<vmem>>
    %dma_start3A_121 = tpu.memref_slice %arg3[%add3A_115] : memref<1048576xi32, #tpu.memory_space<hbm>> -> memref<10240xi32, #tpu.memory_space<hbm>>
    tpu.enqueue_dma source(%dma_start3A_121 : memref<10240xi32, #tpu.memory_space<hbm>>) target(%dma_start3A_120 : memref<10240xi32, #tpu.memory_space<vmem>>) target_semaphore(%arg14 : memref<!tpu.dma_semaphore, #tpu.memory_space<semaphore_mem>>)
    %dma_start3A_122 = arith.constant 0 : i32
    %dma_start3A_123 = tpu.memref_slice %arg10[%dma_start3A_122] : memref<10240xi32, #tpu.memory_space<vmem>> -> memref<10240xi32, #tpu.memory_space<vmem>>
    %dma_start3A_124 = tpu.memref_slice %arg4[%add3A_115] : memref<1048576xi32, #tpu.memory_space<hbm>> -> memref<10240xi32, #tpu.memory_space<hbm>>
    %dma_start3A_125 = arith.constant 0 : i32
    %dma_start3A_126 = tpu.memref_slice %arg10[%dma_start3A_125] : memref<10240xi32, #tpu.memory_space<vmem>> -> memref<10240xi32, #tpu.memory_space<vmem>>
    %dma_start3A_127 = tpu.memref_slice %arg4[%add3A_115] : memref<1048576xi32, #tpu.memory_space<hbm>> -> memref<10240xi32, #tpu.memory_space<hbm>>
    tpu.enqueue_dma source(%dma_start3A_127 : memref<10240xi32, #tpu.memory_space<hbm>>) target(%dma_start3A_126 : memref<10240xi32, #tpu.memory_space<vmem>>) target_semaphore(%arg14 : memref<!tpu.dma_semaphore, #tpu.memory_space<semaphore_mem>>)
    %dma_start3A_128 = arith.constant 22528 : i32
    %dma_start3A_129 = tpu.memref_slice %arg11[%dma_start3A_128] : memref<32768xi32, #tpu.memory_space<vmem>> -> memref<10240xi32, #tpu.memory_space<vmem>>
    %dma_start3A_130 = tpu.memref_slice %arg5[%add3A_115] : memref<1048576xi32, #tpu.memory_space<hbm>> -> memref<10240xi32, #tpu.memory_space<hbm>>
    %dma_start3A_131 = arith.constant 22528 : i32
    %dma_start3A_132 = tpu.memref_slice %arg11[%dma_start3A_131] : memref<32768xi32, #tpu.memory_space<vmem>> -> memref<10240xi32, #tpu.memory_space<vmem>>
    %dma_start3A_133 = tpu.memref_slice %arg5[%add3A_115] : memref<1048576xi32, #tpu.memory_space<hbm>> -> memref<10240xi32, #tpu.memory_space<hbm>>
    tpu.enqueue_dma source(%dma_start3A_133 : memref<10240xi32, #tpu.memory_space<hbm>>) target(%dma_start3A_132 : memref<10240xi32, #tpu.memory_space<vmem>>) target_semaphore(%arg14 : memref<!tpu.dma_semaphore, #tpu.memory_space<semaphore_mem>>)
    %dma_wait3A_134 = arith.constant 0 : i32
    %dma_wait3A_135 = tpu.memref_slice %arg7[%dma_wait3A_134] : memref<10240xi32, #tpu.memory_space<vmem>> -> memref<10240xi32, #tpu.memory_space<vmem>>
    %dma_wait3A_136 = tpu.memref_slice %arg3[%add3A_68] : memref<1048576xi32, #tpu.memory_space<hbm>> -> memref<10240xi32, #tpu.memory_space<hbm>>
    %dma_wait3A_137 = arith.constant 0 : i32
    %dma_wait3A_138 = tpu.memref_slice %arg7[%dma_wait3A_137] : memref<10240xi32, #tpu.memory_space<vmem>> -> memref<10240xi32, #tpu.memory_space<vmem>>
    %dma_wait3A_139 = tpu.memref_slice %arg3[%add3A_68] : memref<1048576xi32, #tpu.memory_space<hbm>> -> memref<10240xi32, #tpu.memory_space<hbm>>
    tpu.wait_dma2 semaphore(%arg13 : memref<!tpu.dma_semaphore, #tpu.memory_space<semaphore_mem>>) src(%dma_wait3A_139 : memref<10240xi32, #tpu.memory_space<hbm>>) dst(%dma_wait3A_138 : memref<10240xi32, #tpu.memory_space<vmem>>)
    %dma_wait3A_140 = arith.constant 0 : i32
    %dma_wait3A_141 = tpu.memref_slice %arg8[%dma_wait3A_140] : memref<10240xi32, #tpu.memory_space<vmem>> -> memref<10240xi32, #tpu.memory_space<vmem>>
    %dma_wait3A_142 = tpu.memref_slice %arg4[%add3A_68] : memref<1048576xi32, #tpu.memory_space<hbm>> -> memref<10240xi32, #tpu.memory_space<hbm>>
    %dma_wait3A_143 = arith.constant 0 : i32
    %dma_wait3A_144 = tpu.memref_slice %arg8[%dma_wait3A_143] : memref<10240xi32, #tpu.memory_space<vmem>> -> memref<10240xi32, #tpu.memory_space<vmem>>
    %dma_wait3A_145 = tpu.memref_slice %arg4[%add3A_68] : memref<1048576xi32, #tpu.memory_space<hbm>> -> memref<10240xi32, #tpu.memory_space<hbm>>
    tpu.wait_dma2 semaphore(%arg13 : memref<!tpu.dma_semaphore, #tpu.memory_space<semaphore_mem>>) src(%dma_wait3A_145 : memref<10240xi32, #tpu.memory_space<hbm>>) dst(%dma_wait3A_144 : memref<10240xi32, #tpu.memory_space<vmem>>)
    %dma_wait3A_146 = arith.constant 12288 : i32
    %dma_wait3A_147 = tpu.memref_slice %arg11[%dma_wait3A_146] : memref<32768xi32, #tpu.memory_space<vmem>> -> memref<10240xi32, #tpu.memory_space<vmem>>
    %dma_wait3A_148 = tpu.memref_slice %arg5[%add3A_68] : memref<1048576xi32, #tpu.memory_space<hbm>> -> memref<10240xi32, #tpu.memory_space<hbm>>
    %dma_wait3A_149 = arith.constant 12288 : i32
    %dma_wait3A_150 = tpu.memref_slice %arg11[%dma_wait3A_149] : memref<32768xi32, #tpu.memory_space<vmem>> -> memref<10240xi32, #tpu.memory_space<vmem>>
    %dma_wait3A_151 = tpu.memref_slice %arg5[%add3A_68] : memref<1048576xi32, #tpu.memory_space<hbm>> -> memref<10240xi32, #tpu.memory_space<hbm>>
    tpu.wait_dma2 semaphore(%arg13 : memref<!tpu.dma_semaphore, #tpu.memory_space<semaphore_mem>>) src(%dma_wait3A_151 : memref<10240xi32, #tpu.memory_space<hbm>>) dst(%dma_wait3A_150 : memref<10240xi32, #tpu.memory_space<vmem>>)
    %parallel_loop3A_152 = arith.constant 0 : i32
    %parallel_loop3A_153 = arith.constant 10240 : i32
    %parallel_loop3A_154 = arith.constant 16 : i32
    scf.for %parallel_loop3A_268 = %parallel_loop3A_152 to %parallel_loop3A_153 step %parallel_loop3A_154  : i32 {
      %parallel_loop3A_269 = arith.constant 12288 : i32
      %parallel_loop3A_270 = arith.addi %parallel_loop3A_269, %parallel_loop3A_268 : i32
      %parallel_loop3A_271 = arith.index_cast %parallel_loop3A_268 : i32 to index
      %parallel_loop3A_272 = tpu.vector_load %arg7[%parallel_loop3A_271] {strides = array<i32>} : memref<10240xi32, #tpu.memory_space<vmem>>, vector<16xi32>,
      %parallel_loop3A_273 = vector.shape_cast %parallel_loop3A_272 : vector<16xi32> to vector<16xi32>
      %parallel_loop3A_274 = arith.constant 25600 : i32
      %parallel_loop3A_275 = vector.broadcast %parallel_loop3A_274 : i32 to vector<16xi32>
      %parallel_loop3A_276 = arith.muli %parallel_loop3A_273, %parallel_loop3A_275 : vector<16xi32>
      %parallel_loop3A_277 = arith.index_cast %parallel_loop3A_268 : i32 to index
      %parallel_loop3A_278 = tpu.vector_load %arg8[%parallel_loop3A_277] {strides = array<i32>} : memref<10240xi32, #tpu.memory_space<vmem>>, vector<16xi32>,
      %parallel_loop3A_279 = vector.shape_cast %parallel_loop3A_278 : vector<16xi32> to vector<16xi32>
      %parallel_loop3A_280 = arith.constant 128 : i32
      %parallel_loop3A_281 = vector.broadcast %parallel_loop3A_280 : i32 to vector<16xi32>
      %parallel_loop3A_282 = arith.muli %parallel_loop3A_279, %parallel_loop3A_281 : vector<16xi32>
      %parallel_loop3A_283 = arith.addi %parallel_loop3A_276, %parallel_loop3A_282 : vector<16xi32>
      %parallel_loop3A_284 = arith.index_cast %parallel_loop3A_270 : i32 to index
      %parallel_loop3A_285 = tpu.vector_load %arg11[%parallel_loop3A_284] {strides = array<i32>} : memref<32768xi32, #tpu.memory_space<vmem>>, vector<16xi32>,
      %parallel_loop3A_286 = vector.shape_cast %parallel_loop3A_285 : vector<16xi32> to vector<16xi32>
      %parallel_loop3A_287 = arith.addi %parallel_loop3A_283, %parallel_loop3A_286 : vector<16xi32>
      %parallel_loop3A_288 = arith.index_cast %parallel_loop3A_270 : i32 to index
      %parallel_loop3A_289 = tpu.vector_load %arg11[%parallel_loop3A_288] {strides = array<i32>} : memref<32768xi32, #tpu.memory_space<vmem>>, vector<16xi32>,
      %parallel_loop3A_290 = vector.shape_cast %parallel_loop3A_289 : vector<16xi32> to vector<16xi32>
      %parallel_loop3A_291 = vector.shape_cast %parallel_loop3A_287 : vector<16xi32> to vector<16xi32>
      tpu.vector_store %arg11[%parallel_loop3A_288], %parallel_loop3A_291 {strides = array<i32>} : memref<32768xi32, #tpu.memory_space<vmem>>, vector<16xi32>,
    } {sc.loop_unroll_factor = 8 : i64, sc.parallel_access}
    %dma_start3A_155 = arith.constant 12288 : i32
    %dma_start3A_156 = tpu.memref_slice %arg12[%dma_start3A_155] : memref<32768xf32, #tpu.memory_space<vmem>> -> memref<10240xf32, #tpu.memory_space<vmem>>
    %dma_start3A_157 = arith.constant 12288 : i32
    %dma_start3A_158 = tpu.memref_slice %arg11[%dma_start3A_157] : memref<32768xi32, #tpu.memory_space<vmem>> -> memref<10240xi32, #tpu.memory_space<vmem>>
    %dma_start3A_159 = arith.constant 0 : i32
    %dma_start3A_160 = tpu.memref_slice %arg2[%dma_start3A_159] : memref<104857600xf32, #tpu.memory_space<hbm>> -> memref<104857600xf32, #tpu.memory_space<hbm>>
    tpu.enqueue_indirect_dma source(%dma_start3A_160 : memref<104857600xf32, #tpu.memory_space<hbm>>) target(%dma_start3A_156 : memref<10240xf32, #tpu.memory_space<vmem>>) offsets(%dma_start3A_158 : memref<10240xi32, #tpu.memory_space<vmem>>) semaphore(%arg17 : memref<!tpu.dma_semaphore, #tpu.memory_space<semaphore_mem>>)
    %dma_wait3A_161 = arith.constant 0 : i32
    %dma_wait3A_162 = tpu.memref_slice %arg9[%dma_wait3A_161] : memref<10240xi32, #tpu.memory_space<vmem>> -> memref<10240xi32, #tpu.memory_space<vmem>>
    %dma_wait3A_163 = tpu.memref_slice %arg3[%add3A_115] : memref<1048576xi32, #tpu.memory_space<hbm>> -> memref<10240xi32, #tpu.memory_space<hbm>>
    %dma_wait3A_164 = arith.constant 0 : i32
    %dma_wait3A_165 = tpu.memref_slice %arg9[%dma_wait3A_164] : memref<10240xi32, #tpu.memory_space<vmem>> -> memref<10240xi32, #tpu.memory_space<vmem>>
    %dma_wait3A_166 = tpu.memref_slice %arg3[%add3A_115] : memref<1048576xi32, #tpu.memory_space<hbm>> -> memref<10240xi32, #tpu.memory_space<hbm>>
    tpu.wait_dma2 semaphore(%arg14 : memref<!tpu.dma_semaphore, #tpu.memory_space<semaphore_mem>>) src(%dma_wait3A_166 : memref<10240xi32, #tpu.memory_space<hbm>>) dst(%dma_wait3A_165 : memref<10240xi32, #tpu.memory_space<vmem>>)
    %dma_wait3A_167 = arith.constant 0 : i32
    %dma_wait3A_168 = tpu.memref_slice %arg10[%dma_wait3A_167] : memref<10240xi32, #tpu.memory_space<vmem>> -> memref<10240xi32, #tpu.memory_space<vmem>>
    %dma_wait3A_169 = tpu.memref_slice %arg4[%add3A_115] : memref<1048576xi32, #tpu.memory_space<hbm>> -> memref<10240xi32, #tpu.memory_space<hbm>>
    %dma_wait3A_170 = arith.constant 0 : i32
    %dma_wait3A_171 = tpu.memref_slice %arg10[%dma_wait3A_170] : memref<10240xi32, #tpu.memory_space<vmem>> -> memref<10240xi32, #tpu.memory_space<vmem>>
    %dma_wait3A_172 = tpu.memref_slice %arg4[%add3A_115] : memref<1048576xi32, #tpu.memory_space<hbm>> -> memref<10240xi32, #tpu.memory_space<hbm>>
    tpu.wait_dma2 semaphore(%arg14 : memref<!tpu.dma_semaphore, #tpu.memory_space<semaphore_mem>>) src(%dma_wait3A_172 : memref<10240xi32, #tpu.memory_space<hbm>>) dst(%dma_wait3A_171 : memref<10240xi32, #tpu.memory_space<vmem>>)
    %dma_wait3A_173 = arith.constant 22528 : i32
    %dma_wait3A_174 = tpu.memref_slice %arg11[%dma_wait3A_173] : memref<32768xi32, #tpu.memory_space<vmem>> -> memref<10240xi32, #tpu.memory_space<vmem>>
    %dma_wait3A_175 = tpu.memref_slice %arg5[%add3A_115] : memref<1048576xi32, #tpu.memory_space<hbm>> -> memref<10240xi32, #tpu.memory_space<hbm>>
    %dma_wait3A_176 = arith.constant 22528 : i32
    %dma_wait3A_177 = tpu.memref_slice %arg11[%dma_wait3A_176] : memref<32768xi32, #tpu.memory_space<vmem>> -> memref<10240xi32, #tpu.memory_space<vmem>>
    %dma_wait3A_178 = tpu.memref_slice %arg5[%add3A_115] : memref<1048576xi32, #tpu.memory_space<hbm>> -> memref<10240xi32, #tpu.memory_space<hbm>>
    tpu.wait_dma2 semaphore(%arg14 : memref<!tpu.dma_semaphore, #tpu.memory_space<semaphore_mem>>) src(%dma_wait3A_178 : memref<10240xi32, #tpu.memory_space<hbm>>) dst(%dma_wait3A_177 : memref<10240xi32, #tpu.memory_space<vmem>>)
    %parallel_loop3A_179 = arith.constant 0 : i32
    %parallel_loop3A_180 = arith.constant 10240 : i32
    %parallel_loop3A_181 = arith.constant 16 : i32
    scf.for %parallel_loop3A_268 = %parallel_loop3A_179 to %parallel_loop3A_180 step %parallel_loop3A_181  : i32 {
      %parallel_loop3A_269 = arith.constant 22528 : i32
      %parallel_loop3A_270 = arith.addi %parallel_loop3A_269, %parallel_loop3A_268 : i32
      %parallel_loop3A_271 = arith.index_cast %parallel_loop3A_268 : i32 to index
      %parallel_loop3A_272 = tpu.vector_load %arg9[%parallel_loop3A_271] {strides = array<i32>} : memref<10240xi32, #tpu.memory_space<vmem>>, vector<16xi32>,
      %parallel_loop3A_273 = vector.shape_cast %parallel_loop3A_272 : vector<16xi32> to vector<16xi32>
      %parallel_loop3A_274 = arith.constant 25600 : i32
      %parallel_loop3A_275 = vector.broadcast %parallel_loop3A_274 : i32 to vector<16xi32>
      %parallel_loop3A_276 = arith.muli %parallel_loop3A_273, %parallel_loop3A_275 : vector<16xi32>
      %parallel_loop3A_277 = arith.index_cast %parallel_loop3A_268 : i32 to index
      %parallel_loop3A_278 = tpu.vector_load %arg10[%parallel_loop3A_277] {strides = array<i32>} : memref<10240xi32, #tpu.memory_space<vmem>>, vector<16xi32>,
      %parallel_loop3A_279 = vector.shape_cast %parallel_loop3A_278 : vector<16xi32> to vector<16xi32>
      %parallel_loop3A_280 = arith.constant 128 : i32
      %parallel_loop3A_281 = vector.broadcast %parallel_loop3A_280 : i32 to vector<16xi32>
      %parallel_loop3A_282 = arith.muli %parallel_loop3A_279, %parallel_loop3A_281 : vector<16xi32>
      %parallel_loop3A_283 = arith.addi %parallel_loop3A_276, %parallel_loop3A_282 : vector<16xi32>
      %parallel_loop3A_284 = arith.index_cast %parallel_loop3A_270 : i32 to index
      %parallel_loop3A_285 = tpu.vector_load %arg11[%parallel_loop3A_284] {strides = array<i32>} : memref<32768xi32, #tpu.memory_space<vmem>>, vector<16xi32>,
      %parallel_loop3A_286 = vector.shape_cast %parallel_loop3A_285 : vector<16xi32> to vector<16xi32>
      %parallel_loop3A_287 = arith.addi %parallel_loop3A_283, %parallel_loop3A_286 : vector<16xi32>
      %parallel_loop3A_288 = arith.index_cast %parallel_loop3A_270 : i32 to index
      %parallel_loop3A_289 = tpu.vector_load %arg11[%parallel_loop3A_288] {strides = array<i32>} : memref<32768xi32, #tpu.memory_space<vmem>>, vector<16xi32>,
      %parallel_loop3A_290 = vector.shape_cast %parallel_loop3A_289 : vector<16xi32> to vector<16xi32>
      %parallel_loop3A_291 = vector.shape_cast %parallel_loop3A_287 : vector<16xi32> to vector<16xi32>
      tpu.vector_store %arg11[%parallel_loop3A_288], %parallel_loop3A_291 {strides = array<i32>} : memref<32768xi32, #tpu.memory_space<vmem>>, vector<16xi32>,
    } {sc.loop_unroll_factor = 8 : i64, sc.parallel_access}
    %dma_start3A_182 = arith.constant 22528 : i32
    %dma_start3A_183 = tpu.memref_slice %arg12[%dma_start3A_182] : memref<32768xf32, #tpu.memory_space<vmem>> -> memref<10240xf32, #tpu.memory_space<vmem>>
    %dma_start3A_184 = arith.constant 22528 : i32
    %dma_start3A_185 = tpu.memref_slice %arg11[%dma_start3A_184] : memref<32768xi32, #tpu.memory_space<vmem>> -> memref<10240xi32, #tpu.memory_space<vmem>>
    %dma_start3A_186 = arith.constant 0 : i32
    %dma_start3A_187 = tpu.memref_slice %arg2[%dma_start3A_186] : memref<104857600xf32, #tpu.memory_space<hbm>> -> memref<104857600xf32, #tpu.memory_space<hbm>>
    tpu.enqueue_indirect_dma source(%dma_start3A_187 : memref<104857600xf32, #tpu.memory_space<hbm>>) target(%dma_start3A_183 : memref<10240xf32, #tpu.memory_space<vmem>>) offsets(%dma_start3A_185 : memref<10240xi32, #tpu.memory_space<vmem>>) semaphore(%arg18 : memref<!tpu.dma_semaphore, #tpu.memory_space<semaphore_mem>>)
    %dma_wait3A_188 = arith.constant 0 : i32
    %dma_wait3A_189 = tpu.memref_slice %arg12[%dma_wait3A_188] : memref<32768xf32, #tpu.memory_space<vmem>> -> memref<2048xf32, #tpu.memory_space<vmem>>
    %dma_wait3A_190 = arith.constant 0 : i32
    %dma_wait3A_191 = tpu.memref_slice %arg11[%dma_wait3A_190] : memref<32768xi32, #tpu.memory_space<vmem>> -> memref<2048xi32, #tpu.memory_space<vmem>>
    %dma_wait3A_192 = arith.constant 0 : i32
    %dma_wait3A_193 = tpu.memref_slice %arg2[%dma_wait3A_192] : memref<104857600xf32, #tpu.memory_space<hbm>> -> memref<104857600xf32, #tpu.memory_space<hbm>>
    tpu.wait_indirect_dma semaphore(%arg15 : memref<!tpu.dma_semaphore, #tpu.memory_space<semaphore_mem>>) src(%dma_wait3A_193 : memref<104857600xf32, #tpu.memory_space<hbm>>) dst(%dma_wait3A_189 : memref<2048xf32, #tpu.memory_space<vmem>>)
    %add3A_194 = arith.constant 0 : i32
    %add3A_195 = arith.addi %mul3A_2, %add3A_194 : i32
    %dma_start3A_196 = arith.constant 0 : i32
    %dma_start3A_197 = tpu.memref_slice %arg12[%dma_start3A_196] : memref<32768xf32, #tpu.memory_space<vmem>> -> memref<2048xf32, #tpu.memory_space<vmem>>
    %dma_start3A_198 = tpu.memref_slice %arg6[%add3A_195] : memref<1048576xf32, #tpu.memory_space<hbm>> -> memref<2048xf32, #tpu.memory_space<hbm>>
    %dma_start3A_199 = tpu.memref_slice %arg6[%add3A_195] : memref<1048576xf32, #tpu.memory_space<hbm>> -> memref<2048xf32, #tpu.memory_space<hbm>>
    %dma_start3A_200 = arith.constant 0 : i32
    %dma_start3A_201 = tpu.memref_slice %arg12[%dma_start3A_200] : memref<32768xf32, #tpu.memory_space<vmem>> -> memref<2048xf32, #tpu.memory_space<vmem>>
    tpu.enqueue_dma source(%dma_start3A_201 : memref<2048xf32, #tpu.memory_space<vmem>>) target(%dma_start3A_199 : memref<2048xf32, #tpu.memory_space<hbm>>) target_semaphore(%arg19 : memref<!tpu.dma_semaphore, #tpu.memory_space<semaphore_mem>>)
    %dma_wait3A_202 = arith.constant 2048 : i32
    %dma_wait3A_203 = tpu.memref_slice %arg12[%dma_wait3A_202] : memref<32768xf32, #tpu.memory_space<vmem>> -> memref<10240xf32, #tpu.memory_space<vmem>>
    %dma_wait3A_204 = arith.constant 2048 : i32
    %dma_wait3A_205 = tpu.memref_slice %arg11[%dma_wait3A_204] : memref<32768xi32, #tpu.memory_space<vmem>> -> memref<10240xi32, #tpu.memory_space<vmem>>
    %dma_wait3A_206 = arith.constant 0 : i32
    %dma_wait3A_207 = tpu.memref_slice %arg2[%dma_wait3A_206] : memref<104857600xf32, #tpu.memory_space<hbm>> -> memref<104857600xf32, #tpu.memory_space<hbm>>
    tpu.wait_indirect_dma semaphore(%arg16 : memref<!tpu.dma_semaphore, #tpu.memory_space<semaphore_mem>>) src(%dma_wait3A_207 : memref<104857600xf32, #tpu.memory_space<hbm>>) dst(%dma_wait3A_203 : memref<10240xf32, #tpu.memory_space<vmem>>)
    %add3A_208 = arith.constant 2048 : i32
    %add3A_209 = arith.addi %mul3A_2, %add3A_208 : i32
    %dma_start3A_210 = arith.constant 2048 : i32
    %dma_start3A_211 = tpu.memref_slice %arg12[%dma_start3A_210] : memref<32768xf32, #tpu.memory_space<vmem>> -> memref<10240xf32, #tpu.memory_space<vmem>>
    %dma_start3A_212 = tpu.memref_slice %arg6[%add3A_209] : memref<1048576xf32, #tpu.memory_space<hbm>> -> memref<10240xf32, #tpu.memory_space<hbm>>
    %dma_start3A_213 = tpu.memref_slice %arg6[%add3A_209] : memref<1048576xf32, #tpu.memory_space<hbm>> -> memref<10240xf32, #tpu.memory_space<hbm>>
    %dma_start3A_214 = arith.constant 2048 : i32
    %dma_start3A_215 = tpu.memref_slice %arg12[%dma_start3A_214] : memref<32768xf32, #tpu.memory_space<vmem>> -> memref<10240xf32, #tpu.memory_space<vmem>>
    tpu.enqueue_dma source(%dma_start3A_215 : memref<10240xf32, #tpu.memory_space<vmem>>) target(%dma_start3A_213 : memref<10240xf32, #tpu.memory_space<hbm>>) target_semaphore(%arg19 : memref<!tpu.dma_semaphore, #tpu.memory_space<semaphore_mem>>)
    %dma_wait3A_216 = arith.constant 12288 : i32
    %dma_wait3A_217 = tpu.memref_slice %arg12[%dma_wait3A_216] : memref<32768xf32, #tpu.memory_space<vmem>> -> memref<10240xf32, #tpu.memory_space<vmem>>
    %dma_wait3A_218 = arith.constant 12288 : i32
    %dma_wait3A_219 = tpu.memref_slice %arg11[%dma_wait3A_218] : memref<32768xi32, #tpu.memory_space<vmem>> -> memref<10240xi32, #tpu.memory_space<vmem>>
    %dma_wait3A_220 = arith.constant 0 : i32
    %dma_wait3A_221 = tpu.memref_slice %arg2[%dma_wait3A_220] : memref<104857600xf32, #tpu.memory_space<hbm>> -> memref<104857600xf32, #tpu.memory_space<hbm>>
    tpu.wait_indirect_dma semaphore(%arg17 : memref<!tpu.dma_semaphore, #tpu.memory_space<semaphore_mem>>) src(%dma_wait3A_221 : memref<104857600xf32, #tpu.memory_space<hbm>>) dst(%dma_wait3A_217 : memref<10240xf32, #tpu.memory_space<vmem>>)
    %add3A_222 = arith.constant 12288 : i32
    %add3A_223 = arith.addi %mul3A_2, %add3A_222 : i32
    %dma_start3A_224 = arith.constant 12288 : i32
    %dma_start3A_225 = tpu.memref_slice %arg12[%dma_start3A_224] : memref<32768xf32, #tpu.memory_space<vmem>> -> memref<10240xf32, #tpu.memory_space<vmem>>
    %dma_start3A_226 = tpu.memref_slice %arg6[%add3A_223] : memref<1048576xf32, #tpu.memory_space<hbm>> -> memref<10240xf32, #tpu.memory_space<hbm>>
    %dma_start3A_227 = tpu.memref_slice %arg6[%add3A_223] : memref<1048576xf32, #tpu.memory_space<hbm>> -> memref<10240xf32, #tpu.memory_space<hbm>>
    %dma_start3A_228 = arith.constant 12288 : i32
    %dma_start3A_229 = tpu.memref_slice %arg12[%dma_start3A_228] : memref<32768xf32, #tpu.memory_space<vmem>> -> memref<10240xf32, #tpu.memory_space<vmem>>
    tpu.enqueue_dma source(%dma_start3A_229 : memref<10240xf32, #tpu.memory_space<vmem>>) target(%dma_start3A_227 : memref<10240xf32, #tpu.memory_space<hbm>>) target_semaphore(%arg19 : memref<!tpu.dma_semaphore, #tpu.memory_space<semaphore_mem>>)
    %dma_wait3A_230 = arith.constant 22528 : i32
    %dma_wait3A_231 = tpu.memref_slice %arg12[%dma_wait3A_230] : memref<32768xf32, #tpu.memory_space<vmem>> -> memref<10240xf32, #tpu.memory_space<vmem>>
    %dma_wait3A_232 = arith.constant 22528 : i32
    %dma_wait3A_233 = tpu.memref_slice %arg11[%dma_wait3A_232] : memref<32768xi32, #tpu.memory_space<vmem>> -> memref<10240xi32, #tpu.memory_space<vmem>>
    %dma_wait3A_234 = arith.constant 0 : i32
    %dma_wait3A_235 = tpu.memref_slice %arg2[%dma_wait3A_234] : memref<104857600xf32, #tpu.memory_space<hbm>> -> memref<104857600xf32, #tpu.memory_space<hbm>>
    tpu.wait_indirect_dma semaphore(%arg18 : memref<!tpu.dma_semaphore, #tpu.memory_space<semaphore_mem>>) src(%dma_wait3A_235 : memref<104857600xf32, #tpu.memory_space<hbm>>) dst(%dma_wait3A_231 : memref<10240xf32, #tpu.memory_space<vmem>>)
    %add3A_236 = arith.constant 22528 : i32
    %add3A_237 = arith.addi %mul3A_2, %add3A_236 : i32
    %dma_start3A_238 = arith.constant 22528 : i32
    %dma_start3A_239 = tpu.memref_slice %arg12[%dma_start3A_238] : memref<32768xf32, #tpu.memory_space<vmem>> -> memref<10240xf32, #tpu.memory_space<vmem>>
    %dma_start3A_240 = tpu.memref_slice %arg6[%add3A_237] : memref<1048576xf32, #tpu.memory_space<hbm>> -> memref<10240xf32, #tpu.memory_space<hbm>>
    %dma_start3A_241 = tpu.memref_slice %arg6[%add3A_237] : memref<1048576xf32, #tpu.memory_space<hbm>> -> memref<10240xf32, #tpu.memory_space<hbm>>
    %dma_start3A_242 = arith.constant 22528 : i32
    %dma_start3A_243 = tpu.memref_slice %arg12[%dma_start3A_242] : memref<32768xf32, #tpu.memory_space<vmem>> -> memref<10240xf32, #tpu.memory_space<vmem>>
    tpu.enqueue_dma source(%dma_start3A_243 : memref<10240xf32, #tpu.memory_space<vmem>>) target(%dma_start3A_241 : memref<10240xf32, #tpu.memory_space<hbm>>) target_semaphore(%arg19 : memref<!tpu.dma_semaphore, #tpu.memory_space<semaphore_mem>>)
    %dma_wait3A_244 = arith.constant 0 : i32
    %dma_wait3A_245 = tpu.memref_slice %arg12[%dma_wait3A_244] : memref<32768xf32, #tpu.memory_space<vmem>> -> memref<2048xf32, #tpu.memory_space<vmem>>
    %dma_wait3A_246 = tpu.memref_slice %arg6[%add3A_195] : memref<1048576xf32, #tpu.memory_space<hbm>> -> memref<2048xf32, #tpu.memory_space<hbm>>
    %dma_wait3A_247 = tpu.memref_slice %arg6[%add3A_195] : memref<1048576xf32, #tpu.memory_space<hbm>> -> memref<2048xf32, #tpu.memory_space<hbm>>
    %dma_wait3A_248 = arith.constant 0 : i32
    %dma_wait3A_249 = tpu.memref_slice %arg12[%dma_wait3A_248] : memref<32768xf32, #tpu.memory_space<vmem>> -> memref<2048xf32, #tpu.memory_space<vmem>>
    tpu.wait_dma2 semaphore(%arg19 : memref<!tpu.dma_semaphore, #tpu.memory_space<semaphore_mem>>) src(%dma_wait3A_249 : memref<2048xf32, #tpu.memory_space<vmem>>) dst(%dma_wait3A_247 : memref<2048xf32, #tpu.memory_space<hbm>>)
    %dma_wait3A_250 = arith.constant 2048 : i32
    %dma_wait3A_251 = tpu.memref_slice %arg12[%dma_wait3A_250] : memref<32768xf32, #tpu.memory_space<vmem>> -> memref<10240xf32, #tpu.memory_space<vmem>>
    %dma_wait3A_252 = tpu.memref_slice %arg6[%add3A_209] : memref<1048576xf32, #tpu.memory_space<hbm>> -> memref<10240xf32, #tpu.memory_space<hbm>>
    %dma_wait3A_253 = tpu.memref_slice %arg6[%add3A_209] : memref<1048576xf32, #tpu.memory_space<hbm>> -> memref<10240xf32, #tpu.memory_space<hbm>>
    %dma_wait3A_254 = arith.constant 2048 : i32
    %dma_wait3A_255 = tpu.memref_slice %arg12[%dma_wait3A_254] : memref<32768xf32, #tpu.memory_space<vmem>> -> memref<10240xf32, #tpu.memory_space<vmem>>
    tpu.wait_dma2 semaphore(%arg19 : memref<!tpu.dma_semaphore, #tpu.memory_space<semaphore_mem>>) src(%dma_wait3A_255 : memref<10240xf32, #tpu.memory_space<vmem>>) dst(%dma_wait3A_253 : memref<10240xf32, #tpu.memory_space<hbm>>)
    %dma_wait3A_256 = arith.constant 12288 : i32
    %dma_wait3A_257 = tpu.memref_slice %arg12[%dma_wait3A_256] : memref<32768xf32, #tpu.memory_space<vmem>> -> memref<10240xf32, #tpu.memory_space<vmem>>
    %dma_wait3A_258 = tpu.memref_slice %arg6[%add3A_223] : memref<1048576xf32, #tpu.memory_space<hbm>> -> memref<10240xf32, #tpu.memory_space<hbm>>
    %dma_wait3A_259 = tpu.memref_slice %arg6[%add3A_223] : memref<1048576xf32, #tpu.memory_space<hbm>> -> memref<10240xf32, #tpu.memory_space<hbm>>
    %dma_wait3A_260 = arith.constant 12288 : i32
    %dma_wait3A_261 = tpu.memref_slice %arg12[%dma_wait3A_260] : memref<32768xf32, #tpu.memory_space<vmem>> -> memref<10240xf32, #tpu.memory_space<vmem>>
    tpu.wait_dma2 semaphore(%arg19 : memref<!tpu.dma_semaphore, #tpu.memory_space<semaphore_mem>>) src(%dma_wait3A_261 : memref<10240xf32, #tpu.memory_space<vmem>>) dst(%dma_wait3A_259 : memref<10240xf32, #tpu.memory_space<hbm>>)
    %dma_wait3A_262 = arith.constant 22528 : i32
    %dma_wait3A_263 = tpu.memref_slice %arg12[%dma_wait3A_262] : memref<32768xf32, #tpu.memory_space<vmem>> -> memref<10240xf32, #tpu.memory_space<vmem>>
    %dma_wait3A_264 = tpu.memref_slice %arg6[%add3A_237] : memref<1048576xf32, #tpu.memory_space<hbm>> -> memref<10240xf32, #tpu.memory_space<hbm>>
    %dma_wait3A_265 = tpu.memref_slice %arg6[%add3A_237] : memref<1048576xf32, #tpu.memory_space<hbm>> -> memref<10240xf32, #tpu.memory_space<hbm>>
    %dma_wait3A_266 = arith.constant 22528 : i32
    %dma_wait3A_267 = tpu.memref_slice %arg12[%dma_wait3A_266] : memref<32768xf32, #tpu.memory_space<vmem>> -> memref<10240xf32, #tpu.memory_space<vmem>>
    tpu.wait_dma2 semaphore(%arg19 : memref<!tpu.dma_semaphore, #tpu.memory_space<semaphore_mem>>) src(%dma_wait3A_267 : memref<10240xf32, #tpu.memory_space<vmem>>) dst(%dma_wait3A_265 : memref<10240xf32, #tpu.memory_space<hbm>>)
    return
  }
}

</mosaic_0001>

<sc_bundles>
// kernel: kernel.3.cloned.1.call-start
scs
__scs_entry_jumppad:
0x0: {  	(pc) =	sbr.rel $0x88, $3  }
0x1: {  	(tag) =	ssettag $0x0;
	lr =	simm.s32 $0x1  }
0x2: {  	[smem:$0x3F9D] =	sst lr;
	_ =	strace $0xD0000000  }
0x3: {  	_ = 	snop  }
0x4: {  	_ = 	snop  }
0x5: {  	_ = 	snop  }
0x6: {  	_ = 	snop  }
0x7: {  	_ = 	snop  }
__scs_overlays_trampoline_lowered:
0x8: {  	[smem:$0x3FAC] =	sst s0  }
0x9: {  	[smem:$0x3FAD] =	sst s1  }
0xa: {  	[smem:$0x3FAE] =	sst s2  }
0xb: {  	[smem:$0x3FAF] =	sst s3  }
0xc: {  	[smem:$0x3FB0] =	sst s4  }
0xd: {  	[smem:$0x3FB1] =	sst s5  }
0xe: {  	[smem:$0x3FB2] =	sst s6  }
0xf: {  	[smem:$0x3FB3] =	sst s7  }
0x10: {  	[smem:$0x3FB4] =	sst s8  }
0x11: {  	[smem:$0x3FB5] =	sst s9;
	s0 =	simm.s32 @!p0 $0x0  }
0x12: {  	s1 =	sld [smem:$0x3F9B];
	s0 =	simm.s32 @p0 $0x1  }
0x13: {  	[smem:$0x3FB6] =	sst s0;
	s0 =	simm.s32 @!p1 $0x0  }
0x14: {  	s2 =	sld [smem:$0x3F9A];
	s0 =	simm.s32 @p1 $0x1  }
0x15: {  	[smem:$0x3FB7] =	sst s0;
	s0 =	simm.s32 @!p2 $0x0  }
0x16: {  	s3 =	sld [smem:$0x3FDB];
	s0 =	simm.s32 @p2 $0x1  }
0x17: {  	s4 =	simm.s32 $0x1BF5;
	[smem:$0x3FB9] =	sst s0  }
0x18: {  	s0 =	sld [smem:$0x3F9C];
	_ =	swait.ge [sflag:s4], $0x0  }
0x19: {  	s7 =	sld [smem:$0x3F9D]  }
0x1a: {  	s8 =	sadd.s32 $0xFFFFE003, lr  }
0x1b: {  	s9 =	sadd.s32 $0xFFFFFEF7, lr;
	s5 =	simm.s32 $0xFFFFFFFF;
	p2 =	slt.u32 s8, $0xFFFFF086  }
0x1c: {  	p1 =	slt.u32 s9, $0xF7A;
	s5 =	simm.s32 @!p2 $0x0  }
0x1d: {  	s5 =	simm.s32 @p1 $0x1;
	p0 =	seq.s32 s7, s2  }
0x1e: {  	s7 =	smul.u32 @!p0 $0xF7A, s2;
	p2 =	seq.s32 @!p0 s5, $0x0  }
0x1f: {  	s9 =	smul.u32 $0xF7A, s1;
	s8 =	simm.s32 @!p0 $0x1BF5;
	p2 =	por !p2, p0  }
0x20: {  	[sflag:s8] =	ssyncset.s32 @!p0 $0xFFFFF086;
	s6 =	sadd.s32 @!p0 s3, s7;
	s7 =	simm.s32 @!p0 $0x108  }
0x21: {  	s3 =	sadd.s32 s3, s9;
	s6 =	sadd.s32 @!p0 $0x88, s6;
	s7 =	simm.s32 @p2 $0x1082  }
0x22: {  	[simem:s7], [sflag:s8] =	dma.local @!p0 [hbm:s6], $0xF7A  }
0x23: {  	s9 =	sor.u32 $0xD0000000, s2;
	s6 =	simm.s32 $0x108;
	_ =	swait.ge @!p0 [sflag:s8], $0x0  }
0x24: {  	s3 =	sadd.s32 $0x88, s3;
	s6 =	simm.s32 @!p1 $0x1082;
	[sflag:s4] =	ssyncset.s32 $0xFFFFF086  }
0x25: {  	[simem:s6], [sflag:s4] =	dma.local [hbm:s3], $0xF7A  }
0x26: {  	[smem:$0x3F9D] =	sst s1;
	(tag) =	ssettag s2;
	_ =	strace s9  }
0x27: {  	s1 =	sld [smem:$0x3FAD]  }
0x28: {  	s2 =	sld [smem:$0x3FAE]  }
0x29: {  	s4 =	sld [smem:$0x3FB0]  }
0x2a: {  	p0 =	seq.s32 s5, $0x0;
	s5 =	sld [smem:$0x3FB1]  }
0x2b: {  	s6 =	sld [smem:$0x3FB2]  }
0x2c: {  	s7 =	sld [smem:$0x3FB3]  }
0x2d: {  	s3 =	simm.s32 $0x108;
	s8 =	sld [smem:$0x3FB4]  }
0x2e: {  	s3 =	simm.s32 @!p0 $0x1082;
	s9 =	sld [smem:$0x3FB5]  }
0x2f: {  	lr =	sadd.s32 s0, s3;
	s0 =	sld [smem:$0x3FAC]  }
0x30: {  	s3 =	sld [smem:$0x3FAF]  }
0x31: {  	[smem:$0x3FB8] =	sst s10  }
0x32: {  	s10 =	sld [smem:$0x3FB6];
	_ =	sdelay $0x3  }
0x33: {  	p0 =	seq.s32 s10, $0x1;
	s10 =	sld [smem:$0x3FB8];
	_ =	sdelay $0x3  }
0x34: {  	[smem:$0x3FB8] =	sst s10  }
0x35: {  	s10 =	sld [smem:$0x3FB7];
	_ =	sdelay $0x3  }
0x36: {  	p1 =	seq.s32 s10, $0x1;
	s10 =	sld [smem:$0x3FB8];
	_ =	sdelay $0x3  }
0x37: {  	[smem:$0x3FB8] =	sst s10  }
0x38: {  	s10 =	sld [smem:$0x3FB9]  }
0x39: {  	_ = 	snop;
	(pc) =	sbr.ind lr, $3  }
0x3a: {  	_ = 	snop  }
0x3b: {  	_ = 	snop  }
0x3c: {  	p2 =	seq.s32 s10, $0x1;
	s10 =	sld [smem:$0x3FB8]  }
0x3d: {  	_ =	shalt  }
0x3e: {  	_ =	shalt  }
0x3f: {  	_ =	shalt  }
0x40: {  	_ =	shalt  }
0x41: {  	_ =	shalt  }
0x42: {  	_ =	shalt  }
0x43: {  	_ =	shalt  }
0x44: {  	_ =	shalt  }
0x45: {  	_ =	shalt  }
0x46: {  	_ =	shalt  }
0x47: {  	_ =	shalt  }
0x48: {  	_ =	shalt  }
0x49: {  	_ =	shalt  }
0x4a: {  	_ =	shalt  }
0x4b: {  	_ =	shalt  }
0x4c: {  	_ =	shalt  }
0x4d: {  	_ =	shalt  }
0x4e: {  	_ =	shalt  }
0x4f: {  	_ =	shalt  }
0x50: {  	_ =	shalt  }
0x51: {  	_ =	shalt  }
0x52: {  	_ =	shalt  }
0x53: {  	_ =	shalt  }
0x54: {  	_ =	shalt  }
0x55: {  	_ =	shalt  }
0x56: {  	_ =	shalt  }
0x57: {  	_ =	shalt  }
0x58: {  	_ =	shalt  }
0x59: {  	_ =	shalt  }
0x5a: {  	_ =	shalt  }
0x5b: {  	_ =	shalt  }
0x5c: {  	_ =	shalt  }
0x5d: {  	_ =	shalt  }
0x5e: {  	_ =	shalt  }
0x5f: {  	_ =	shalt  }
0x60: {  	_ =	shalt  }
0x61: {  	_ =	shalt  }
0x62: {  	_ =	shalt  }
0x63: {  	_ =	shalt  }
0x64: {  	_ =	shalt  }
0x65: {  	_ =	shalt  }
0x66: {  	_ =	shalt  }
0x67: {  	_ =	shalt  }
0x68: {  	_ =	shalt  }
0x69: {  	_ =	shalt  }
0x6a: {  	_ =	shalt  }
0x6b: {  	_ =	shalt  }
0x6c: {  	_ =	shalt  }
0x6d: {  	_ =	shalt  }
0x6e: {  	_ =	shalt  }
0x6f: {  	_ =	shalt  }
0x70: {  	_ =	shalt  }
0x71: {  	_ =	shalt  }
0x72: {  	_ =	shalt  }
0x73: {  	_ =	shalt  }
0x74: {  	_ =	shalt  }
0x75: {  	_ =	shalt  }
0x76: {  	_ =	shalt  }
0x77: {  	_ =	shalt  }
0x78: {  	_ =	shalt  }
0x79: {  	_ =	shalt  }
0x7a: {  	_ =	shalt  }
0x7b: {  	_ =	shalt  }
0x7c: {  	_ =	shalt  }
0x7d: {  	_ =	shalt  }
0x7e: {  	_ =	shalt  }
0x7f: {  	_ =	shalt  }
0x80: {  	_ =	shalt  }
0x81: {  	_ =	shalt  }
0x82: {  	_ =	shalt  }
0x83: {  	_ =	shalt  }
0x84: {  	_ =	shalt  }
0x85: {  	_ =	shalt  }
0x86: {  	_ =	shalt  }
0x87: {  	_ =	shalt  }
.Lfunc_end0:
.L_simem_size_0:
called_computation_lowered:
.L_overlay_start_0:
0x88: {  	s2 =	sld [smem:$0x3FD9]  }
0x89: {  	s3 =	sld [smem:$0x3FFE];
	_ =	sdelay $0x1  }
0x8a: {  	s1 =	srdreg.scid  }
0x8b: {  	s0 =	sand.u32 $0x1, s1  }
0x8c: {  	s18 =	sshll.u32 s0, $0xA;
	s2 =	sadd.s32 s3, s2  }
0x8d: {  	s2 =	sadd.s32 s2, s18  }
0x8e: {  	[smem:$0x3FC4] =	sst s2  }
0x8f: {  	_ = 	snop  }
0x90: {  	s2 =	sld [smem:$0x3FC9]  }
0x91: {  	s19 =	sld [smem:$0x3FC8]  }
0x92: {  	s4 =	sld [smem:$0x3FC7]  }
0x93: {  	s5 =	sld [smem:$0x3FC6]  }
0x94: {  	s6 =	sld [smem:$0x3FD0];
	(tm) =	ssettm $0x1  }
0x95: {  	s7 =	sld [smem:$0x3FFB];
	_ =	sdelay $0x3  }
0x96: {  	_ =	strace s7  }
0x97: {  	s7 =	sld [smem:$0x3FFC];
	_ =	sdelay $0x3  }
0x98: {  	_ =	strace s7  }
0x99: {  	s7 =	sld [smem:$0x3FFD];
	_ =	sdelay $0x3  }
0x9a: {  	_ =	strace s7  }
0x9b: {  	_ =	strace $0x8FFFFFFF  }
0x9c: {  	s20 =	sld [smem:$0x3FDB];
	_ =	sdelay $0x1  }
0x9d: {  	s8 =	simm.s32 $_scs_section_size  }
0x9e: {  	s9 =	simm.s32 $_size__tile_overlayer_lowered;
	s10 =	simm.s32 $_tile_overlayer_lowered  }
0x9f: {  	s23 =	simm.s32 $0x1BFF;
	s22 =	sshll.u32 s10, $0x1;
	s7 =	sadd.s32 s8, s20  }
0xa0: {  	s11 =	simm.s32 $0x0;
	s21 =	sshll.u32 s9, $0x1;
	s9 =	sadd.s32 s22, s7  }
0xa1: {  	[timem:s11], [sflag:s23] =	dma.local [hbm:s9], s21  }
0xa2: {  	_ =	swait.ge [sflag:s23], s21  }
0xa3: {  	s8 =	ssub.s32 $0x0, s21;
	[sflag:s23] =	ssyncset.done $0x0  }
0xa4: {  	[sflag:s23] =	ssyncadd.s32 s8;
	_ =	sdelay $0x1  }
0xa5: {  	s24 =	simm.s32 $0x1B8B  }
0xa6: {  	_ =	swait.ge [sflag:s24], $0x1  }
0xa7: {  	[sflag:s24] =	ssyncset.done $0x0  }
0xa8: {  	s25 =	simm.s32 $0x1B8E;
	[sflag:s24] =	ssyncadd.s32 $0xFFFFFFFF  }
0xa9: {  	s26 =	simm.s32 $execute0_lowered;
	[smem:$0x3FD2] =	sst s25  }
0xaa: {  	s8 =	sshll.u32 s26, $0x1;
	_ =	strace $0x80000046;
	[dreg:$0x1] =	wrdreg $0xFFFFFFFF  }
0xab: {  	s28 =	simm.s32 $_size_execute0_lowered;
	s7 =	sadd.s32 s7, s8;
	[dreg:$0x0] =	wrdreg $0x0  }
0xac: {  	s8 =	sshll.u32 s28, $0x1;
	[dreg:$0x2] =	wrdreg s7  }
0xad: {  	[dreg:$0x3] =	wrdreg s8  }
0xae: {  	[dreg:$0x4] =	wrdreg $0xC0  }
0xaf: {  	_ =	task [dreg:s11], $0x5FFFF  }
0xb0: {  	[dreg:$0x1] =	wrdreg $0xFFFFFFFF  }
0xb1: {  	[dreg:$0x0] =	wrdreg $0x60  }
0xb2: {  	[dreg:$0x2] =	wrdreg s2  }
0xb3: {  	[dreg:$0x3] =	wrdreg s19  }
0xb4: {  	[dreg:$0x4] =	wrdreg s4  }
0xb5: {  	[dreg:$0x5] =	wrdreg s5  }
0xb6: {  	[dreg:$0x6] =	wrdreg s6  }
0xb7: {  	[dreg:$0x7] =	wrdreg $0x9  }
0xb8: {  	_ =	task.clear_ibuf [dreg:s11], $0x8FFFF;
	_ =	strace $0x90000046  }
0xb9: {  	s29 =	simm.s32 $0x9;
	_ =	strace $0x80000048  }
0xba: {  	_ =	swait.ge [sflag:s29], $0x1  }
0xbb: {  	[sflag:s29] =	ssyncadd.s32 $0xFFFFFFFF  }
0xbc: {  	_ =	strace $0x90000048  }
0xbd: {  	_ =	sfence  }
0xbe: {  	s30 =	sld [smem:$0x0];
	_ =	sdelay $0x2  }
0xbf: {  	s31 =	sshll.u32 s1, $0xD;
	s1 =	sshrl.u32 s1, $0x2  }
0xc0: {  	s3 =	sand.u32 $0x4000, s31;
	s1 =	sadd.s32 s1, s30  }
0xc1: {  	s0 =	sor.u32 s3, s0;
	s1 =	sshll.u32 s1, $0x11  }
0xc2: {  	s0 =	sor.u32 s1, s0  }
0xc3: {  	s0 =	sadd.s32 $0x8F2B, s0  }
0xc4: {  	[sflag:s0] =	ssyncadd.remote.s32 $0x1  }
0xc5: {  	_ =	sfence.sel $0xFFFF  }
0xc6: {  	[dreg:$0x0] =	wrdreg $0xFFFFFFFF;
	(pc) =	sbr.abs _section_cstart, $3  }
0xc7: {  	[dreg:$0x1] =	wrdreg $0xFFFFFFFF  }
0xc8: {  	_ =	task.clear_ibuf [dreg:s11], $0x2FFFF;
	_ =	strace $0x9FFFFFFF  }
0xc9: {  	(tm) =	ssettm $0x7FFFFFFF  }
tec
execute0_lowered:
.L_overlay_start_1:
0x0: {  	(tag) =	ssettag $0x1  }
0x1: {  	s1 =	rddreg [dreg:$0x0]  }
0x2: {  	s0 =	rddreg [dreg:$0x1]  }
0x3: {  	s2 =	rddreg [dreg:$0x2]  }
0x4: {  	s4 =	rddreg [dreg:$0x3]  }
0x5: {  	s5 =	rddreg [dreg:$0x4]  }
0x6: {  	s6 =	srdreg.scid;
	s3 =	simm.s32 $0x0;
	s8 =	stileid.u32  }
0x7: {  	s29 =	simm.s32 $0x12000;
	s30 =	simm.s32 $0xD000;
	s31 =	simm.s32 $0x2  }
0x8: {  	s28 =	simm.s32 $0x15000;
	s6 =	sand.u32 $0x1, s6;
	s8 =	sshll.u32 s8, $0xD  }
0x9: {  	[smem:$0x7FF] =	sst s3;
	s7 =	ssub.s32 $0x2, s6;
	s6 =	sshll.u32 s6, $0xC  }
0xa: {  	_ =	strace $0x80000047;
	s9 =	sshrl.u32 s7, $0x1;
	s6 =	sor.u32 s6, s8  }
0xb: {  	s7 =	ssub.s32 s7, s9;
	s8 =	sadd.s32 s0, s6;
	s18 =	sadd.s32 s2, s6  }
0xc: {  	s19 =	sadd.s32 s4, s6;
	s20 =	sor.u32 $0x100, s6;
	s23 =	sor.u32 $0x600, s6  }
0xd: {  	s25 =	sor.u32 $0xB00, s6;
	s16 =	sadd.s32 s5, s6;
	[dreg:$0x6] =	wrdreg s8  }
0xe: {  	s6 =	simm.s32 $0x4;
	s9 =	simm.s32 $0x7;
	[dreg:$0x7] =	wrdreg s18  }
0xf: {  	[dreg:$0x8] =	wrdreg s19;
	s21 =	sadd.s32 s0, s20;
	s22 =	sadd.s32 s2, s20  }
0x10: {  	s10 =	sadd.s32 s4, s20;
	s24 =	sadd.s32 s0, s23;
	s11 =	sadd.s32 s2, s23  }
0x11: {  	s26 =	sadd.s32 s4, s23;
	s13 =	sadd.s32 s0, s25;
	s14 =	sadd.s32 s2, s25  }
0x12: {  	s15 =	sadd.s32 s4, s25;
	s17 =	sadd.s32 s5, s20;
	[dreg:$0x9] =	wrdreg s21  }
0x13: {  	s18 =	sadd.s32 s5, s23;
	s19 =	sadd.s32 s5, s25;
	[dreg:$0xa] =	wrdreg s22  }
0x14: {  	s20 =	smax.u32 s7, $0x1;
	s25 =	simm.s32 $0xA800;
	[dreg:$0xb] =	wrdreg s10  }
0x15: {  	s0 =	simm.s32 $0x12800;
	s2 =	simm.s32 $0xF800;
	[dreg:$0xc] =	wrdreg s24  }
0x16: {  	s4 =	simm.s32 $0x17800;
	s5 =	simm.s32 $0x3;
	[dreg:$0xd] =	wrdreg s11  }
0x17: {  	s7 =	simm.s32 $0x5;
	s8 =	simm.s32 $0x6;
	[dreg:$0xe] =	wrdreg s26  }
0x18: {  	s21 =	simm.s32 $0x2800;
	s26 =	simm.s32 $0x1;
	s10 =	simm.s32 $0x0  }
.LBB2_1:
0x19: {  	s11 =	rddreg [dreg:$0x6]  }
0x1a: {  	[tilespmem:s3], [sflag:$0x1] =	stream.linear.gather [hbm4b:s11+s3], $0x800, $0x38;
	[tilespmem:$0x1A000] =	vst v63  }
0x1b: {  	s12 =	rddreg [dreg:$0x7]  }
0x1c: {  	[tilespmem:s21], [sflag:$0x1] =	stream.linear.gather [hbm4b:s12+s3], $0x800, $0x38;
	[tilespmem:$0x1A000] =	vst v63  }
0x1d: {  	s22 =	rddreg [dreg:$0x8];
	s12 =	simm.s32 $0xA000  }
0x1e: {  	[tilespmem:s12], [sflag:$0x1] =	stream.linear.gather [hbm4b:s22+s3], $0x800, $0x38;
	[tilespmem:$0x1A000] =	vst v63  }
0x1f: {  	s23 =	rddreg [dreg:$0x9];
	s24 =	simm.s32 $0x5000  }
0x20: {  	[tilespmem:s24], [sflag:$0x2] =	stream.linear.gather [hbm4b:s23+s3], $0x2800, $0x38;
	[tilespmem:$0x1A000] =	vst v63  }
0x21: {  	s12 =	rddreg [dreg:$0xa];
	s22 =	simm.s32 $0x7800  }
0x22: {  	[tilespmem:s22], [sflag:$0x2] =	stream.linear.gather [hbm4b:s12+s3], $0x2800, $0x38;
	[tilespmem:$0x1A000] =	vst v63  }
0x23: {  	s23 =	rddreg [dreg:$0xb]  }
0x24: {  	[tilespmem:s25], [sflag:$0x2] =	stream.linear.gather [hbm4b:s23+s3], $0x2800, $0x38;
	[tilespmem:$0x1A000] =	vst v63  }
0x25: {  	_ =	swait.ge [sflag:s26], $0x800  }
0x26: {  	[sflag:s26] =	ssyncset.done $0x0  }
0x27: {  	[sflag:s26] =	ssyncadd.s32 $0xFFFFF800  }
0x28: {  	_ =	swait.ge [sflag:s26], $0x800  }
0x29: {  	[sflag:s26] =	ssyncset.done $0x0  }
0x2a: {  	[sflag:s26] =	ssyncadd.s32 $0xFFFFF800  }
0x2b: {  	_ =	swait.ge [sflag:s26], $0x800  }
0x2c: {  	[sflag:s26] =	ssyncset.done $0x0  }
0x2d: {  	s24 =	simm.s32 $0x40;
	[sflag:s26] =	ssyncadd.s32 $0xFFFFF800  }
0x2e: {  	s23 =	simm.s32 $0x2840;
	v0 =	vld [tilespmem:s24+$0x30]  }
0x2f: {  	v1 =	vld [tilespmem:s23+$0x30]  }
0x30: {  	s22 =	simm.s32 $0xA040;
	v2 =	vld [tilespmem:s24+$0xFFFFFFD0]  }
0x31: {  	v3 =	vld [tilespmem:s22+$0x30]  }
0x32: {  	v4 =	vld [tilespmem:s24+$0xFFFFFFE0]  }
0x33: {  	v5 =	vld [tilespmem:s24+$0xFFFFFFF0]  }
0x34: {  	v6 =	vld [tilespmem:s24+$0x0]  }
0x35: {  	v7 =	vld [tilespmem:s24+$0x10]  }
0x36: {  	v8 =	vld [tilespmem:s24+$0x20]  }
0x37: {  	v9 =	vld [tilespmem:s24+$0xFFFFFFC0]  }
0x38: {  	v10 =	vld [tilespmem:s23+$0xFFFFFFC0]  }
0x39: {  	v11 =	vld [tilespmem:s23+$0xFFFFFFD0]  }
0x3a: {  	v12 =	vld [tilespmem:s23+$0xFFFFFFE0]  }
0x3b: {  	v13 =	vld [tilespmem:s23+$0xFFFFFFF0];
	v0 =	vmul.u32 $0x6400, v0  }
0x3c: {  	v14 =	vld [tilespmem:s23+$0x0];
	v1 =	vshll.u32 v1, $0x7  }
0x3d: {  	v15 =	vld [tilespmem:s23+$0x10];
	v0 =	vadd.s32 v0, v1  }
0x3e: {  	v1 =	vmul.u32 $0x6400, v2;
	v16 =	vadd.s32 v3, v0;
	v0 =	vmul.u32 $0x6400, v9;
	v9 =	vld [tilespmem:s23+$0x20]  }
0x3f: {  	v2 =	vmul.u32 $0x6400, v4;
	v4 =	vmul.u32 $0x6400, v5;
	v3 =	vshll.u32 v10, $0x7;
	v10 =	vld [tilespmem:s22+$0xFFFFFFC0]  }
0x40: {  	v5 =	vmul.u32 $0x6400, v6;
	v6 =	vadd.s32 v0, v3;
	v0 =	vshll.u32 v11, $0x7;
	v11 =	vld [tilespmem:s22+$0xFFFFFFD0]  }
0x41: {  	v61 =	vshll.u32 v13, $0x7;
	v3 =	vld [tilespmem:s22+$0xFFFFFFE0];
	v17 =	vadd.s32 v1, v0;
	v0 =	vshll.u32 v12, $0x7  }
0x42: {  	v1 =	vadd.s32 v2, v0;
	v0 =	vadd.s32 v4, v61;
	v2 =	vshll.u32 v14, $0x7;
	v4 =	vld [tilespmem:s22+$0xFFFFFFF0]  }
0x43: {  	v7 =	vmul.u32 $0x6400, v7;
	v62 =	vmul.u32 $0x6400, v8;
	v2 =	vadd.s32 v5, v2;
	v5 =	vld [tilespmem:s22+$0x0]  }
0x44: {  	v63 =	vshll.u32 v15, $0x7;
	v8 =	vld [tilespmem:s22+$0x10];
	[tilespmem:s22+$0x30] =	vst v16;
	v9 =	vshll.u32 v9, $0x7;
	v10 =	vadd.s32 v10, v6  }
0x45: {  	s11 =	simm.s32 $0xA040;
	s12 =	simm.s32 $0xC0;
	s24 =	simm.s32 $0x0;
	v6 =	vadd.s32 v7, v63;
	v7 =	vadd.s32 v62, v9;
	[tilespmem:s22+$0xFFFFFFC0] =	vst v10;
	v9 =	vld [tilespmem:s22+$0x20];
	v10 =	vadd.s32 v11, v17  }
.LBB2_2:
0x46: {  	v11 =	vld [tilespmem:s12+$0x30];
	s24 =	sadd.s32 $0x80, s24;
	[tilespmem:s22+$0xFFFFFFD0] =	vst v10;
	v1 =	vadd.s32 v3, v1;
	s23 =	sadd.s32 $0x80, s23  }
0x47: {  	v3 =	vld [tilespmem:s23+$0x30];
	p0 =	slt.u32 s24, $0x780;
	[tilespmem:s22+$0xFFFFFFE0] =	vst v1;
	v0 =	vadd.s32 v4, v0  }
0x48: {  	s22 =	sadd.s32 $0x80, s22;
	v1 =	vld [tilespmem:s12+$0xFFFFFFD0];
	[tilespmem:s11+$0xFFFFFFF0] =	vst v0;
	v0 =	vadd.s32 v5, v2  }
0x49: {  	v2 =	vld [tilespmem:s22+$0x30];
	[tilespmem:s11+$0x0] =	vst v0;
	v0 =	vadd.s32 v8, v6  }
0x4a: {  	v4 =	vld [tilespmem:s12+$0xFFFFFFE0];
	[tilespmem:s11+$0x10] =	vst v0;
	v0 =	vadd.s32 v9, v7  }
0x4b: {  	v5 =	vld [tilespmem:s12+$0xFFFFFFF0];
	v6 =	vmul.u32 $0x6400, v11;
	[tilespmem:s11+$0x20] =	vst v0;
	s11 =	smov.u32 s22  }
0x4c: {  	v0 =	vld [tilespmem:s12+$0x0];
	v3 =	vshll.u32 v3, $0x7  }
0x4d: {  	v1 =	vmul.u32 $0x6400, v1;
	v7 =	vld [tilespmem:s12+$0x10];
	v3 =	vadd.s32 v6, v3  }
0x4e: {  	v6 =	vld [tilespmem:s12+$0x20];
	v2 =	vadd.s32 v2, v3  }
0x4f: {  	v3 =	vld [tilespmem:s12+$0xFFFFFFC0];
	v4 =	vmul.u32 $0x6400, v4;
	[tilespmem:s22+$0x30] =	vst v2  }
0x50: {  	v2 =	vld [tilespmem:s23+$0xFFFFFFC0];
	v5 =	vmul.u32 $0x6400, v5  }
0x51: {  	v8 =	vld [tilespmem:s23+$0xFFFFFFD0];
	v9 =	vmul.u32 $0x6400, v0  }
0x52: {  	v0 =	vld [tilespmem:s23+$0xFFFFFFE0];
	v7 =	vmul.u32 $0x6400, v7  }
0x53: {  	v10 =	vld [tilespmem:s23+$0xFFFFFFF0];
	v11 =	vmul.u32 $0x6400, v6  }
0x54: {  	v3 =	vmul.u32 $0x6400, v3;
	v6 =	vld [tilespmem:s23+$0x0]  }
0x55: {  	v2 =	vshll.u32 v2, $0x7;
	v12 =	vld [tilespmem:s23+$0x10]  }
0x56: {  	v13 =	vadd.s32 v3, v2;
	v2 =	vshll.u32 v8, $0x7;
	v8 =	vld [tilespmem:s23+$0x20]  }
0x57: {  	v14 =	vld [tilespmem:s22+$0xFFFFFFC0];
	v15 =	vadd.s32 v1, v2;
	v0 =	vshll.u32 v0, $0x7  }
0x58: {  	v16 =	vld [tilespmem:s22+$0xFFFFFFD0];
	v1 =	vadd.s32 v4, v0;
	v0 =	vshll.u32 v10, $0x7  }
.Ltmp0:
0x59: {  	v3 =	vld [tilespmem:s22+$0xFFFFFFE0];
	v0 =	vadd.s32 v5, v0;
	v2 =	vshll.u32 v6, $0x7;
	(pc) =	sbr.rel @p0 .LBB2_2-.Ltmp0, $4  }
0x5a: {  	v4 =	vld [tilespmem:s22+$0xFFFFFFF0];
	v2 =	vadd.s32 v9, v2;
	v6 =	vshll.u32 v12, $0x7  }
0x5b: {  	v5 =	vld [tilespmem:s22+$0x0];
	v6 =	vadd.s32 v7, v6;
	v7 =	vshll.u32 v8, $0x7  }
0x5c: {  	v9 =	vadd.s32 v14, v13;
	v8 =	vld [tilespmem:s22+$0x10];
	v7 =	vadd.s32 v11, v7  }
0x5d: {  	s12 =	sadd.s32 $0x80, s12;
	[tilespmem:s22+$0xFFFFFFC0] =	vst v9;
	v10 =	vadd.s32 v16, v15;
	v9 =	vld [tilespmem:s22+$0x20]  }
0x5e: {  	[tilespmem:s22+$0xFFFFFFD0] =	vst v10;
	v1 =	vadd.s32 v3, v1  }
0x5f: {  	[tilespmem:s22+$0xFFFFFFE0] =	vst v1;
	v0 =	vadd.s32 v4, v0  }
0x60: {  	[tilespmem:s11+$0xFFFFFFF0] =	vst v0;
	v0 =	vadd.s32 v5, v2  }
0x61: {  	[tilespmem:s11+$0x0] =	vst v0;
	v0 =	vadd.s32 v8, v6  }
0x62: {  	[tilespmem:s11+$0x10] =	vst v0;
	v0 =	vadd.s32 v9, v7  }
0x63: {  	s24 =	simm.s32 $0xA000;
	s12 =	simm.s32 $0x800;
	[tilespmem:s11+$0x20] =	vst v0  }
0x64: {  	[tilespmem:s29], [sflag:$0x3] =	stream.indirect.gather [hbm4b:s1+s12], $0x1, s24, s12, $0xb8;
	[tilespmem:$0x1A000] =	vst v63  }
0x65: {  	s12 =	rddreg [dreg:$0xc]  }
0x66: {  	[tilespmem:s3], [sflag:$0x1] =	stream.linear.gather [hbm4b:s12+s3], $0x2800, $0x38;
	[tilespmem:$0x1A000] =	vst v63  }
0x67: {  	s22 =	rddreg [dreg:$0xd]  }
0x68: {  	[tilespmem:s21], [sflag:$0x1] =	stream.linear.gather [hbm4b:s22+s3], $0x2800, $0x38;
	[tilespmem:$0x1A000] =	vst v63  }
0x69: {  	s23 =	rddreg [dreg:$0xe]  }
0x6a: {  	[tilespmem:s30], [sflag:$0x1] =	stream.linear.gather [hbm4b:s23+s3], $0x2800, $0x38;
	[tilespmem:$0x1A000] =	vst v63  }
0x6b: {  	_ =	swait.ge [sflag:s31], $0x2800  }
0x6c: {  	[sflag:s31] =	ssyncset.done $0x0  }
0x6d: {  	[sflag:s31] =	ssyncadd.s32 $0xFFFFD800  }
0x6e: {  	_ =	swait.ge [sflag:s31], $0x2800  }
0x6f: {  	[sflag:s31] =	ssyncset.done $0x0  }
0x70: {  	[sflag:s31] =	ssyncadd.s32 $0xFFFFD800  }
0x71: {  	_ =	swait.ge [sflag:s31], $0x2800  }
0x72: {  	[sflag:s31] =	ssyncset.done $0x0  }
0x73: {  	s24 =	simm.s32 $0x5040;
	[sflag:s31] =	ssyncadd.s32 $0xFFFFD800  }
0x74: {  	s23 =	simm.s32 $0x7840;
	v0 =	vld [tilespmem:s24+$0x30]  }
0x75: {  	v1 =	vld [tilespmem:s23+$0x30]  }
0x76: {  	s22 =	simm.s32 $0xA870;
	v2 =	vld [tilespmem:s24+$0xFFFFFFD0]  }
0x77: {  	v3 =	vld [tilespmem:s22+$0x0]  }
0x78: {  	v4 =	vld [tilespmem:s24+$0xFFFFFFE0]  }
0x79: {  	v5 =	vld [tilespmem:s24+$0xFFFFFFF0]  }
0x7a: {  	v6 =	vld [tilespmem:s24+$0x0]  }
0x7b: {  	v7 =	vld [tilespmem:s24+$0x10]  }
0x7c: {  	v8 =	vld [tilespmem:s24+$0x20]  }
0x7d: {  	v9 =	vld [tilespmem:s24+$0xFFFFFFC0]  }
0x7e: {  	v10 =	vld [tilespmem:s23+$0xFFFFFFC0]  }
0x7f: {  	v11 =	vld [tilespmem:s23+$0xFFFFFFD0]  }
0x80: {  	v12 =	vld [tilespmem:s23+$0xFFFFFFE0]  }
0x81: {  	v13 =	vld [tilespmem:s23+$0xFFFFFFF0];
	v0 =	vmul.u32 $0x6400, v0  }
0x82: {  	v14 =	vld [tilespmem:s23+$0x0];
	v1 =	vshll.u32 v1, $0x7  }
0x83: {  	v15 =	vld [tilespmem:s23+$0x10];
	v0 =	vadd.s32 v0, v1  }
0x84: {  	v1 =	vmul.u32 $0x6400, v2;
	v16 =	vadd.s32 v3, v0;
	v0 =	vmul.u32 $0x6400, v9;
	v9 =	vld [tilespmem:s23+$0x20]  }
0x85: {  	v2 =	vmul.u32 $0x6400, v4;
	v4 =	vmul.u32 $0x6400, v5;
	v3 =	vshll.u32 v10, $0x7;
	v10 =	vld [tilespmem:s22+$0xFFFFFF90]  }
0x86: {  	v5 =	vmul.u32 $0x6400, v6;
	v6 =	vadd.s32 v0, v3;
	v0 =	vshll.u32 v11, $0x7;
	v11 =	vld [tilespmem:s22+$0xFFFFFFA0]  }
0x87: {  	v61 =	vshll.u32 v13, $0x7;
	v3 =	vld [tilespmem:s22+$0xFFFFFFB0];
	v17 =	vadd.s32 v1, v0;
	v0 =	vshll.u32 v12, $0x7  }
0x88: {  	v1 =	vadd.s32 v2, v0;
	v0 =	vadd.s32 v4, v61;
	v2 =	vshll.u32 v14, $0x7;
	v4 =	vld [tilespmem:s22+$0xFFFFFFC0]  }
0x89: {  	v7 =	vmul.u32 $0x6400, v7;
	v62 =	vmul.u32 $0x6400, v8;
	v2 =	vadd.s32 v5, v2;
	v5 =	vld [tilespmem:s22+$0xFFFFFFD0]  }
0x8a: {  	v63 =	vshll.u32 v15, $0x7;
	v8 =	vld [tilespmem:s22+$0xFFFFFFE0];
	[tilespmem:s22+$0x0] =	vst v16;
	v9 =	vshll.u32 v9, $0x7;
	v10 =	vadd.s32 v10, v6  }
0x8b: {  	s11 =	simm.s32 $0xA870;
	s12 =	simm.s32 $0x50C0;
	s24 =	simm.s32 $0x0;
	v6 =	vadd.s32 v7, v63;
	v7 =	vadd.s32 v62, v9;
	[tilespmem:s22+$0xFFFFFF90] =	vst v10;
	v9 =	vld [tilespmem:s22+$0xFFFFFFF0];
	v10 =	vadd.s32 v11, v17  }
.LBB2_4:
0x8c: {  	v11 =	vld [tilespmem:s12+$0x30];
	s24 =	sadd.s32 $0x80, s24;
	[tilespmem:s22+$0xFFFFFFA0] =	vst v10;
	v1 =	vadd.s32 v3, v1;
	s23 =	sadd.s32 $0x80, s23  }
0x8d: {  	v3 =	vld [tilespmem:s23+$0x30];
	p0 =	slt.u32 s24, $0x2780;
	[tilespmem:s22+$0xFFFFFFB0] =	vst v1;
	v0 =	vadd.s32 v4, v0  }
0x8e: {  	s22 =	sadd.s32 $0x80, s22;
	v1 =	vld [tilespmem:s12+$0xFFFFFFD0];
	[tilespmem:s11+$0xFFFFFFC0] =	vst v0;
	v0 =	vadd.s32 v5, v2  }
0x8f: {  	v2 =	vld [tilespmem:s22+$0x0];
	[tilespmem:s11+$0xFFFFFFD0] =	vst v0;
	v0 =	vadd.s32 v8, v6  }
0x90: {  	v4 =	vld [tilespmem:s12+$0xFFFFFFE0];
	[tilespmem:s11+$0xFFFFFFE0] =	vst v0;
	v0 =	vadd.s32 v9, v7  }
0x91: {  	v5 =	vld [tilespmem:s12+$0xFFFFFFF0];
	v6 =	vmul.u32 $0x6400, v11;
	[tilespmem:s11+$0xFFFFFFF0] =	vst v0;
	s11 =	smov.u32 s22  }
0x92: {  	v0 =	vld [tilespmem:s12+$0x0];
	v3 =	vshll.u32 v3, $0x7  }
0x93: {  	v1 =	vmul.u32 $0x6400, v1;
	v7 =	vld [tilespmem:s12+$0x10];
	v3 =	vadd.s32 v6, v3  }
0x94: {  	v6 =	vld [tilespmem:s12+$0x20];
	v2 =	vadd.s32 v2, v3  }
0x95: {  	v3 =	vld [tilespmem:s12+$0xFFFFFFC0];
	v4 =	vmul.u32 $0x6400, v4;
	[tilespmem:s22+$0x0] =	vst v2  }
0x96: {  	v2 =	vld [tilespmem:s23+$0xFFFFFFC0];
	v5 =	vmul.u32 $0x6400, v5  }
0x97: {  	v8 =	vld [tilespmem:s23+$0xFFFFFFD0];
	v9 =	vmul.u32 $0x6400, v0  }
0x98: {  	v0 =	vld [tilespmem:s23+$0xFFFFFFE0];
	v7 =	vmul.u32 $0x6400, v7  }
0x99: {  	v10 =	vld [tilespmem:s23+$0xFFFFFFF0];
	v11 =	vmul.u32 $0x6400, v6  }
0x9a: {  	v3 =	vmul.u32 $0x6400, v3;
	v6 =	vld [tilespmem:s23+$0x0]  }
0x9b: {  	v2 =	vshll.u32 v2, $0x7;
	v12 =	vld [tilespmem:s23+$0x10]  }
0x9c: {  	v13 =	vadd.s32 v3, v2;
	v2 =	vshll.u32 v8, $0x7;
	v8 =	vld [tilespmem:s23+$0x20]  }
0x9d: {  	v14 =	vld [tilespmem:s22+$0xFFFFFF90];
	v15 =	vadd.s32 v1, v2;
	v0 =	vshll.u32 v0, $0x7  }
0x9e: {  	v16 =	vld [tilespmem:s22+$0xFFFFFFA0];
	v1 =	vadd.s32 v4, v0;
	v0 =	vshll.u32 v10, $0x7  }
.Ltmp1:
0x9f: {  	v3 =	vld [tilespmem:s22+$0xFFFFFFB0];
	v0 =	vadd.s32 v5, v0;
	v2 =	vshll.u32 v6, $0x7;
	(pc) =	sbr.rel @p0 .LBB2_4-.Ltmp1, $4  }
0xa0: {  	v4 =	vld [tilespmem:s22+$0xFFFFFFC0];
	v2 =	vadd.s32 v9, v2;
	v6 =	vshll.u32 v12, $0x7  }
0xa1: {  	v5 =	vld [tilespmem:s22+$0xFFFFFFD0];
	v6 =	vadd.s32 v7, v6;
	v7 =	vshll.u32 v8, $0x7  }
0xa2: {  	v9 =	vadd.s32 v14, v13;
	v8 =	vld [tilespmem:s22+$0xFFFFFFE0];
	v7 =	vadd.s32 v11, v7  }
0xa3: {  	s12 =	sadd.s32 $0x80, s12;
	[tilespmem:s22+$0xFFFFFF90] =	vst v9;
	v10 =	vadd.s32 v16, v15;
	v9 =	vld [tilespmem:s22+$0xFFFFFFF0]  }
0xa4: {  	[tilespmem:s22+$0xFFFFFFA0] =	vst v10;
	v1 =	vadd.s32 v3, v1  }
0xa5: {  	[tilespmem:s22+$0xFFFFFFB0] =	vst v1;
	v0 =	vadd.s32 v4, v0  }
0xa6: {  	[tilespmem:s11+$0xFFFFFFC0] =	vst v0;
	v0 =	vadd.s32 v5, v2  }
0xa7: {  	[tilespmem:s11+$0xFFFFFFD0] =	vst v0;
	v0 =	vadd.s32 v8, v6  }
0xa8: {  	[tilespmem:s11+$0xFFFFFFE0] =	vst v0;
	v0 =	vadd.s32 v9, v7  }
0xa9: {  	[tilespmem:s11+$0xFFFFFFF0] =	vst v0  }
0xaa: {  	[tilespmem:s0], [sflag:$0x4] =	stream.indirect.gather [hbm4b:s1+s21], $0x1, s25, s21, $0xb8;
	[tilespmem:$0x1A000] =	vst v63  }
0xab: {  	s22 =	simm.s32 $0x5000  }
0xac: {  	[tilespmem:s22], [sflag:$0x2] =	stream.linear.gather [hbm4b:s13+s3], $0x2800, $0x38;
	[tilespmem:$0x1A000] =	vst v63  }
0xad: {  	s23 =	simm.s32 $0x7800  }
0xae: {  	[tilespmem:s23], [sflag:$0x2] =	stream.linear.gather [hbm4b:s14+s3], $0x2800, $0x38;
	[tilespmem:$0x1A000] =	vst v63  }
0xaf: {  	_ = 	snop  }
0xb0: {  	[tilespmem:s2], [sflag:$0x2] =	stream.linear.gather [hbm4b:s15+s3], $0x2800, $0x38;
	[tilespmem:$0x1A000] =	vst v63  }
0xb1: {  	_ =	swait.ge [sflag:s26], $0x2800  }
0xb2: {  	[sflag:s26] =	ssyncset.done $0x0  }
0xb3: {  	[sflag:s26] =	ssyncadd.s32 $0xFFFFD800  }
0xb4: {  	_ =	swait.ge [sflag:s26], $0x2800  }
0xb5: {  	[sflag:s26] =	ssyncset.done $0x0  }
0xb6: {  	[sflag:s26] =	ssyncadd.s32 $0xFFFFD800  }
0xb7: {  	_ =	swait.ge [sflag:s26], $0x2800  }
0xb8: {  	[sflag:s26] =	ssyncset.done $0x0  }
0xb9: {  	s24 =	simm.s32 $0x40;
	[sflag:s26] =	ssyncadd.s32 $0xFFFFD800  }
0xba: {  	s23 =	simm.s32 $0x2840;
	v0 =	vld [tilespmem:s24+$0x30]  }
0xbb: {  	v1 =	vld [tilespmem:s23+$0x30]  }
0xbc: {  	s22 =	simm.s32 $0xD070;
	v2 =	vld [tilespmem:s24+$0xFFFFFFD0]  }
0xbd: {  	v3 =	vld [tilespmem:s22+$0x0]  }
0xbe: {  	v4 =	vld [tilespmem:s24+$0xFFFFFFE0]  }
0xbf: {  	v5 =	vld [tilespmem:s24+$0xFFFFFFF0]  }
0xc0: {  	v6 =	vld [tilespmem:s24+$0x0]  }
0xc1: {  	v7 =	vld [tilespmem:s24+$0x10]  }
0xc2: {  	v8 =	vld [tilespmem:s24+$0x20]  }
0xc3: {  	v9 =	vld [tilespmem:s24+$0xFFFFFFC0]  }
0xc4: {  	v10 =	vld [tilespmem:s23+$0xFFFFFFC0]  }
0xc5: {  	v11 =	vld [tilespmem:s23+$0xFFFFFFD0]  }
0xc6: {  	v12 =	vld [tilespmem:s23+$0xFFFFFFE0]  }
0xc7: {  	v13 =	vld [tilespmem:s23+$0xFFFFFFF0];
	v0 =	vmul.u32 $0x6400, v0  }
0xc8: {  	v14 =	vld [tilespmem:s23+$0x0];
	v1 =	vshll.u32 v1, $0x7  }
0xc9: {  	v15 =	vld [tilespmem:s23+$0x10];
	v0 =	vadd.s32 v0, v1  }
0xca: {  	v1 =	vmul.u32 $0x6400, v2;
	v16 =	vadd.s32 v3, v0;
	v0 =	vmul.u32 $0x6400, v9;
	v9 =	vld [tilespmem:s23+$0x20]  }
0xcb: {  	v2 =	vmul.u32 $0x6400, v4;
	v4 =	vmul.u32 $0x6400, v5;
	v3 =	vshll.u32 v10, $0x7;
	v10 =	vld [tilespmem:s22+$0xFFFFFF90]  }
0xcc: {  	v5 =	vmul.u32 $0x6400, v6;
	v6 =	vadd.s32 v0, v3;
	v0 =	vshll.u32 v11, $0x7;
	v11 =	vld [tilespmem:s22+$0xFFFFFFA0]  }
0xcd: {  	v61 =	vshll.u32 v13, $0x7;
	v3 =	vld [tilespmem:s22+$0xFFFFFFB0];
	v17 =	vadd.s32 v1, v0;
	v0 =	vshll.u32 v12, $0x7  }
0xce: {  	v1 =	vadd.s32 v2, v0;
	v0 =	vadd.s32 v4, v61;
	v2 =	vshll.u32 v14, $0x7;
	v4 =	vld [tilespmem:s22+$0xFFFFFFC0]  }
0xcf: {  	v7 =	vmul.u32 $0x6400, v7;
	v62 =	vmul.u32 $0x6400, v8;
	v2 =	vadd.s32 v5, v2;
	v5 =	vld [tilespmem:s22+$0xFFFFFFD0]  }
0xd0: {  	v63 =	vshll.u32 v15, $0x7;
	v8 =	vld [tilespmem:s22+$0xFFFFFFE0];
	[tilespmem:s22+$0x0] =	vst v16;
	v9 =	vshll.u32 v9, $0x7;
	v10 =	vadd.s32 v10, v6  }
0xd1: {  	s12 =	simm.s32 $0xC0;
	s11 =	simm.s32 $0xD070;
	s24 =	simm.s32 $0x0;
	v6 =	vadd.s32 v7, v63;
	v7 =	vadd.s32 v62, v9;
	[tilespmem:s22+$0xFFFFFF90] =	vst v10;
	v9 =	vld [tilespmem:s22+$0xFFFFFFF0];
	v10 =	vadd.s32 v11, v17  }
.LBB2_6:
0xd2: {  	v11 =	vld [tilespmem:s12+$0x30];
	s24 =	sadd.s32 $0x80, s24;
	[tilespmem:s22+$0xFFFFFFA0] =	vst v10;
	v1 =	vadd.s32 v3, v1;
	s23 =	sadd.s32 $0x80, s23  }
0xd3: {  	v3 =	vld [tilespmem:s23+$0x30];
	p0 =	slt.u32 s24, $0x2780;
	[tilespmem:s22+$0xFFFFFFB0] =	vst v1;
	v0 =	vadd.s32 v4, v0  }
0xd4: {  	s22 =	sadd.s32 $0x80, s22;
	v1 =	vld [tilespmem:s12+$0xFFFFFFD0];
	[tilespmem:s11+$0xFFFFFFC0] =	vst v0;
	v0 =	vadd.s32 v5, v2  }
0xd5: {  	v2 =	vld [tilespmem:s22+$0x0];
	[tilespmem:s11+$0xFFFFFFD0] =	vst v0;
	v0 =	vadd.s32 v8, v6  }
0xd6: {  	v4 =	vld [tilespmem:s12+$0xFFFFFFE0];
	[tilespmem:s11+$0xFFFFFFE0] =	vst v0;
	v0 =	vadd.s32 v9, v7  }
0xd7: {  	v5 =	vld [tilespmem:s12+$0xFFFFFFF0];
	v6 =	vmul.u32 $0x6400, v11;
	[tilespmem:s11+$0xFFFFFFF0] =	vst v0;
	s11 =	smov.u32 s22  }
0xd8: {  	v0 =	vld [tilespmem:s12+$0x0];
	v3 =	vshll.u32 v3, $0x7  }
0xd9: {  	v1 =	vmul.u32 $0x6400, v1;
	v7 =	vld [tilespmem:s12+$0x10];
	v3 =	vadd.s32 v6, v3  }
0xda: {  	v6 =	vld [tilespmem:s12+$0x20];
	v2 =	vadd.s32 v2, v3  }
0xdb: {  	v3 =	vld [tilespmem:s12+$0xFFFFFFC0];
	v4 =	vmul.u32 $0x6400, v4;
	[tilespmem:s22+$0x0] =	vst v2  }
0xdc: {  	v2 =	vld [tilespmem:s23+$0xFFFFFFC0];
	v5 =	vmul.u32 $0x6400, v5  }
0xdd: {  	v8 =	vld [tilespmem:s23+$0xFFFFFFD0];
	v9 =	vmul.u32 $0x6400, v0  }
0xde: {  	v0 =	vld [tilespmem:s23+$0xFFFFFFE0];
	v7 =	vmul.u32 $0x6400, v7  }
0xdf: {  	v10 =	vld [tilespmem:s23+$0xFFFFFFF0];
	v11 =	vmul.u32 $0x6400, v6  }
0xe0: {  	v3 =	vmul.u32 $0x6400, v3;
	v6 =	vld [tilespmem:s23+$0x0]  }
0xe1: {  	v2 =	vshll.u32 v2, $0x7;
	v12 =	vld [tilespmem:s23+$0x10]  }
0xe2: {  	v13 =	vadd.s32 v3, v2;
	v2 =	vshll.u32 v8, $0x7;
	v8 =	vld [tilespmem:s23+$0x20]  }
0xe3: {  	v14 =	vld [tilespmem:s22+$0xFFFFFF90];
	v15 =	vadd.s32 v1, v2;
	v0 =	vshll.u32 v0, $0x7  }
0xe4: {  	v16 =	vld [tilespmem:s22+$0xFFFFFFA0];
	v1 =	vadd.s32 v4, v0;
	v0 =	vshll.u32 v10, $0x7  }
.Ltmp2:
0xe5: {  	v3 =	vld [tilespmem:s22+$0xFFFFFFB0];
	v0 =	vadd.s32 v5, v0;
	v2 =	vshll.u32 v6, $0x7;
	(pc) =	sbr.rel @p0 .LBB2_6-.Ltmp2, $4  }
0xe6: {  	v4 =	vld [tilespmem:s22+$0xFFFFFFC0];
	v2 =	vadd.s32 v9, v2;
	v6 =	vshll.u32 v12, $0x7  }
0xe7: {  	v5 =	vld [tilespmem:s22+$0xFFFFFFD0];
	v6 =	vadd.s32 v7, v6;
	v7 =	vshll.u32 v8, $0x7  }
0xe8: {  	v9 =	vadd.s32 v14, v13;
	v8 =	vld [tilespmem:s22+$0xFFFFFFE0];
	v7 =	vadd.s32 v11, v7  }
0xe9: {  	s12 =	sadd.s32 $0x80, s12;
	[tilespmem:s22+$0xFFFFFF90] =	vst v9;
	v10 =	vadd.s32 v16, v15;
	v9 =	vld [tilespmem:s22+$0xFFFFFFF0]  }
0xea: {  	[tilespmem:s22+$0xFFFFFFA0] =	vst v10;
	v1 =	vadd.s32 v3, v1  }
0xeb: {  	[tilespmem:s22+$0xFFFFFFB0] =	vst v1;
	v0 =	vadd.s32 v4, v0  }
0xec: {  	[tilespmem:s11+$0xFFFFFFC0] =	vst v0;
	v0 =	vadd.s32 v5, v2  }
0xed: {  	[tilespmem:s11+$0xFFFFFFD0] =	vst v0;
	v0 =	vadd.s32 v8, v6  }
0xee: {  	[tilespmem:s11+$0xFFFFFFE0] =	vst v0;
	v0 =	vadd.s32 v9, v7  }
0xef: {  	[tilespmem:s11+$0xFFFFFFF0] =	vst v0  }
0xf0: {  	[tilespmem:s28], [sflag:$0x5] =	stream.indirect.gather [hbm4b:s1+s21], $0x1, s30, s21, $0xb8;
	[tilespmem:$0x1A000] =	vst v63  }
0xf1: {  	_ =	swait.ge [sflag:s31], $0x2800  }
0xf2: {  	[sflag:s31] =	ssyncset.done $0x0  }
0xf3: {  	[sflag:s31] =	ssyncadd.s32 $0xFFFFD800  }
0xf4: {  	_ =	swait.ge [sflag:s31], $0x2800  }
0xf5: {  	[sflag:s31] =	ssyncset.done $0x0  }
0xf6: {  	[sflag:s31] =	ssyncadd.s32 $0xFFFFD800  }
0xf7: {  	_ =	swait.ge [sflag:s31], $0x2800  }
0xf8: {  	[sflag:s31] =	ssyncset.done $0x0  }
0xf9: {  	s22 =	simm.s32 $0x0;
	[sflag:s31] =	ssyncadd.s32 $0xFFFFD800  }
0xfa: {  	v0 =	vld [tilespmem:s22+$0x5070]  }
0xfb: {  	v1 =	vld [tilespmem:s22+$0x7870]  }
0xfc: {  	v2 =	vld [tilespmem:s22+$0x5000]  }
0xfd: {  	v3 =	vld [tilespmem:s22+$0xF870]  }
0xfe: {  	v4 =	vld [tilespmem:s22+$0x5010]  }
0xff: {  	v5 =	vld [tilespmem:s22+$0x5020]  }
0x100: {  	v6 =	vld [tilespmem:s22+$0x5030]  }
0x101: {  	v7 =	vld [tilespmem:s22+$0x5040]  }
0x102: {  	v8 =	vld [tilespmem:s22+$0x5050]  }
0x103: {  	v9 =	vld [tilespmem:s22+$0x5060]  }
0x104: {  	v10 =	vld [tilespmem:s22+$0x7800]  }
0x105: {  	v11 =	vld [tilespmem:s22+$0x7810]  }
0x106: {  	v12 =	vld [tilespmem:s22+$0x7820]  }
0x107: {  	v13 =	vld [tilespmem:s22+$0x7830];
	v0 =	vmul.u32 $0x6400, v0  }
0x108: {  	v14 =	vld [tilespmem:s22+$0x7840];
	v1 =	vshll.u32 v1, $0x7  }
0x109: {  	v16 =	vld [tilespmem:s22+$0x7850];
	v6 =	vmul.u32 $0x6400, v6;
	v0 =	vadd.s32 v0, v1;
	v1 =	vmul.u32 $0x6400, v2  }
0x10a: {  	v15 =	vadd.s32 v3, v0;
	v0 =	vmul.u32 $0x6400, v4;
	v3 =	vshll.u32 v10, $0x7;
	v10 =	vld [tilespmem:s22+$0x7860]  }
0x10b: {  	v2 =	vmul.u32 $0x6400, v5;
	v17 =	vadd.s32 v1, v3;
	v1 =	vshll.u32 v11, $0x7;
	v11 =	vld [tilespmem:s22+$0xF800]  }
0x10c: {  	v9 =	vmul.u32 $0x6400, v9;
	v5 =	vld [tilespmem:s22+$0xF810];
	v1 =	vadd.s32 v0, v1;
	v0 =	vshll.u32 v12, $0x7  }
0x10d: {  	v4 =	vld [tilespmem:s22+$0xF820];
	v3 =	vmul.u32 $0x6400, v7;
	v0 =	vadd.s32 v2, v0;
	v2 =	vshll.u32 v13, $0x7  }
0x10e: {  	v7 =	vmul.u32 $0x6400, v8;
	v8 =	vshll.u32 v14, $0x7;
	v2 =	vadd.s32 v6, v2;
	v6 =	vld [tilespmem:s22+$0xF830]  }
0x10f: {  	v62 =	vshll.u32 v16, $0x7;
	v3 =	vadd.s32 v3, v8;
	v8 =	vld [tilespmem:s22+$0xF840];
	v63 =	vshll.u32 v10, $0x7  }
0x110: {  	s12 =	simm.s32 $0x200;
	s11 =	simm.s32 $0x0;
	[tilespmem:s22+$0xF870] =	vst v15;
	v7 =	vadd.s32 v7, v62;
	v10 =	vld [tilespmem:s22+$0xF850];
	v11 =	vadd.s32 v11, v17;
	v9 =	vadd.s32 v9, v63  }
.LBB2_8:
0x111: {  	s23 =	sshra.s32 s12, $0x2;
	s11 =	sadd.s32 $0x80, s11;
	[tilespmem:s22+$0xF800] =	vst v11;
	v1 =	vadd.s32 v5, v1;
	v5 =	vld [tilespmem:s22+$0xF860]  }
0x112: {  	v11 =	vld [tilespmem:s23+$0x5070];
	p0 =	slt.u32 s11, $0x2780;
	[tilespmem:s22+$0xF810] =	vst v1;
	v0 =	vadd.s32 v4, v0  }
0x113: {  	v1 =	vld [tilespmem:s23+$0x7870];
	[tilespmem:s22+$0xF820] =	vst v0;
	v0 =	vadd.s32 v6, v2  }
0x114: {  	v2 =	vld [tilespmem:s23+$0x5000];
	[tilespmem:s22+$0xF830] =	vst v0;
	v0 =	vadd.s32 v8, v3  }
0x115: {  	v3 =	vld [tilespmem:s23+$0xF870];
	[tilespmem:s22+$0xF840] =	vst v0;
	v0 =	vadd.s32 v10, v7  }
0x116: {  	v4 =	vld [tilespmem:s23+$0x5010];
	[tilespmem:s22+$0xF850] =	vst v0;
	v0 =	vadd.s32 v5, v9  }
0x117: {  	v5 =	vld [tilespmem:s23+$0x5020];
	v6 =	vmul.u32 $0x6400, v11;
	[tilespmem:s22+$0xF860] =	vst v0;
	s22 =	smov.u32 s23  }
0x118: {  	v0 =	vld [tilespmem:s22+$0x5030];
	v1 =	vshll.u32 v1, $0x7  }
0x119: {  	v2 =	vmul.u32 $0x6400, v2;
	v7 =	vld [tilespmem:s22+$0x5040];
	v1 =	vadd.s32 v6, v1  }
0x11a: {  	v6 =	vld [tilespmem:s22+$0x5050];
	v1 =	vadd.s32 v3, v1  }
0x11b: {  	v3 =	vmul.u32 $0x6400, v4;
	v4 =	vld [tilespmem:s22+$0x5060];
	[tilespmem:s22+$0xF870] =	vst v1  }
0x11c: {  	v1 =	vld [tilespmem:s22+$0x7800];
	v8 =	vmul.u32 $0x6400, v5  }
0x11d: {  	v5 =	vld [tilespmem:s22+$0x7810];
	v9 =	vmul.u32 $0x6400, v0  }
0x11e: {  	v0 =	vld [tilespmem:s22+$0x7820];
	v7 =	vmul.u32 $0x6400, v7  }
0x11f: {  	v10 =	vld [tilespmem:s22+$0x7830];
	v11 =	vmul.u32 $0x6400, v6  }
0x120: {  	v6 =	vld [tilespmem:s22+$0x7840];
	v12 =	vmul.u32 $0x6400, v4  }
0x121: {  	v1 =	vshll.u32 v1, $0x7;
	v13 =	vld [tilespmem:s22+$0x7850]  }
0x122: {  	v14 =	vadd.s32 v2, v1;
	v1 =	vshll.u32 v5, $0x7;
	v15 =	vld [tilespmem:s22+$0x7860]  }
0x123: {  	v16 =	vld [tilespmem:s22+$0xF800];
	v1 =	vadd.s32 v3, v1;
	v0 =	vshll.u32 v0, $0x7  }
.Ltmp3:
0x124: {  	v5 =	vld [tilespmem:s22+$0xF810];
	v0 =	vadd.s32 v8, v0;
	v2 =	vshll.u32 v10, $0x7;
	(pc) =	sbr.rel @p0 .LBB2_8-.Ltmp3, $4  }
0x125: {  	v4 =	vld [tilespmem:s22+$0xF820];
	v2 =	vadd.s32 v9, v2;
	v3 =	vshll.u32 v6, $0x7  }
0x126: {  	v6 =	vld [tilespmem:s22+$0xF830];
	v3 =	vadd.s32 v7, v3;
	v7 =	vshll.u32 v13, $0x7  }
0x127: {  	v8 =	vld [tilespmem:s22+$0xF840];
	v7 =	vadd.s32 v11, v7;
	v9 =	vshll.u32 v15, $0x7  }
0x128: {  	s12 =	sadd.s32 $0x200, s12;
	v11 =	vadd.s32 v16, v14;
	v10 =	vld [tilespmem:s22+$0xF850];
	v9 =	vadd.s32 v12, v9  }
0x129: {  	[tilespmem:s22+$0xF800] =	vst v11;
	v1 =	vadd.s32 v5, v1;
	v59 =	vld [tilespmem:s22+$0xF860]  }
0x12a: {  	[tilespmem:s22+$0xF810] =	vst v1;
	v0 =	vadd.s32 v4, v0  }
0x12b: {  	[tilespmem:s22+$0xF820] =	vst v0;
	v60 =	vadd.s32 v6, v2  }
0x12c: {  	[tilespmem:s22+$0xF830] =	vst v60;
	v61 =	vadd.s32 v8, v3  }
0x12d: {  	[tilespmem:s22+$0xF840] =	vst v61;
	v62 =	vadd.s32 v10, v7  }
0x12e: {  	[tilespmem:s22+$0xF850] =	vst v62;
	v63 =	vadd.s32 v59, v9  }
0x12f: {  	[tilespmem:s22+$0xF860] =	vst v63  }
0x130: {  	[tilespmem:s4], [sflag:$0x6] =	stream.indirect.gather [hbm4b:s1+s21], $0x1, s2, s21, $0xb8;
	[tilespmem:$0x1A000] =	vst v63  }
0x131: {  	_ =	swait.ge [sflag:s5], $0x800  }
0x132: {  	[sflag:s5] =	ssyncset.done $0x0  }
0x133: {  	[sflag:s5] =	ssyncadd.s32 $0xFFFFF800  }
0x134: {  	[hbm4b:s16+s3] =	stream.linear.scatter [tilespmem:s29], [sflag:$0x7], $0x800, $0x38;
	[tilespmem:$0x1A000] =	vst v63  }
0x135: {  	_ =	swait.ge [sflag:s6], $0x2800  }
0x136: {  	[sflag:s6] =	ssyncset.done $0x0  }
0x137: {  	[sflag:s6] =	ssyncadd.s32 $0xFFFFD800  }
0x138: {  	[hbm4b:s17+s3] =	stream.linear.scatter [tilespmem:s0], [sflag:$0x7], $0x2800, $0x38;
	[tilespmem:$0x1A000] =	vst v63  }
0x139: {  	_ =	swait.ge [sflag:s7], $0x2800  }
0x13a: {  	[sflag:s7] =	ssyncset.done $0x0  }
0x13b: {  	[sflag:s7] =	ssyncadd.s32 $0xFFFFD800  }
0x13c: {  	[hbm4b:s18+s3] =	stream.linear.scatter [tilespmem:s28], [sflag:$0x7], $0x2800, $0x38;
	[tilespmem:$0x1A000] =	vst v63  }
0x13d: {  	_ =	swait.ge [sflag:s8], $0x2800  }
0x13e: {  	[sflag:s8] =	ssyncset.done $0x0  }
0x13f: {  	[sflag:s8] =	ssyncadd.s32 $0xFFFFD800  }
0x140: {  	[hbm4b:s19+s3] =	stream.linear.scatter [tilespmem:s4], [sflag:$0x7], $0x2800, $0x38;
	[tilespmem:$0x1A000] =	vst v63  }
0x141: {  	_ =	swait.ge [sflag:s9], $0x800  }
0x142: {  	[sflag:s9] =	ssyncset.done $0x0  }
0x143: {  	[sflag:s9] =	ssyncadd.s32 $0xFFFFF800  }
0x144: {  	_ =	swait.ge [sflag:s9], $0x2800  }
0x145: {  	[sflag:s9] =	ssyncset.done $0x0  }
0x146: {  	s10 =	sadd.s32 $0x1, s10;
	[sflag:s9] =	ssyncadd.s32 $0xFFFFD800  }
0x147: {  	p0 =	sne.s32 s10, s20;
	_ =	swait.ge [sflag:s9], $0x2800  }
.Ltmp4:
0x148: {  	[sflag:s9] =	ssyncset.done $0x0;
	(pc) =	sbr.rel @p0 .LBB2_1-.Ltmp4, $4  }
0x149: {  	[sflag:s9] =	ssyncadd.s32 $0xFFFFD800  }
0x14a: {  	_ =	swait.ge [sflag:s9], $0x2800  }
0x14b: {  	[sflag:s9] =	ssyncset.done $0x0  }
0x14c: {  	[sflag:s9] =	ssyncadd.s32 $0xFFFFD800  }
0x14d: {  	_ =	sfence.sel $0x180000  }
0x14e: {  	[bflag:$0x0] =	sbarrier.arrive $0xFFFF  }
0x14f: {  	_ =	strace $0x90000047  }
0x150: {  	s0 =	stileid.u32;
	[bflag:$0x2] =	sbarrier.arrive $0xFFFF  }
0x151: {  	p0 =	sne.s32 s0, $0x0;
	s0 =	rddreg [dreg:$0x5]  }
0x152: {  	s0 =	sadd.s32 @!p0 $0x100000, s0  }
0x153: {  	[sflag:s0] =	ssyncadd.tile.s32 @!p0 $0x1;
	_ =	shalt  }
.Lfunc_end2:
_tile_overlayer_lowered:
.L_overlay_start_2:
0x154: {  	(tag) =	ssettag $0x2  }
0x155: {  	s0 =	rddreg [dreg:$0x0];
	s2 =	stileid.u32  }
0x156: {  	s1 =	rddreg [dreg:$0x1];
	p0 =	sne.s32 s2, $0x0  }
0x157: {  	s3 =	rddreg [dreg:$0x2];
	[bflag:$0x3] =	sbarrier.arrive $0xFFFF;
	s2 =	simm.s32 @!p0 $0x1C08  }
0x158: {  	[timem:s3], [sflag:s2] =	dma.local @!p0 [hbm:s0], s1  }
0x159: {  	s0 =	simm.s32 @!p0 $0x8  }
0x15a: {  	_ =	swait.ge @!p0 [sflag:s0], s1  }
0x15b: {  	s1 =	ssub.s32 @!p0 $0x0, s1;
	[sflag:s0] =	ssyncset.done @!p0 $0x0  }
0x15c: {  	[sflag:s0] =	ssyncadd.s32 @!p0 s1  }
0x15d: {  	[bflag:$0x3] =	sbarrier.arrive $0xFFFF  }
0x15e: {  	_ =	shalt  }

</sc_bundles>
